<compile_context>
chip_gen: v7x
topology: tpu7x:2x2x1
jax: 0.10.2.dev20260603
libtpu: 0.0.44.dev20260713+nightly
codegen_flags: <defaults>
</compile_context>

<pallas_src>
import functools

import jax
import jax.numpy as jnp
from jax import lax
from jax.experimental import pallas as pl
from jax.experimental.pallas import tpu as pltpu
from jax.experimental.pallas import tpu_sc as plsc

CHANNELS = 128
HALF = CHANNELS // 2
MAX_LEN = 1000
BATCH = 16384
LANES = 16
CHUNK = 128


def kernel(spatial_coord, pos_enc):
    tbl = pos_enc.reshape(2 * MAX_LEN, HALF)
    coords = spatial_coord.reshape(2 * BATCH)

    info = plsc.get_sparse_core_info()
    nw = info.num_cores * info.num_subcores
    n2 = (2 * BATCH) // nw
    nchunk = n2 // CHUNK

    @functools.partial(
        pl.kernel,
        mesh=plsc.VectorSubcoreMesh(core_axis_name="c", subcore_axis_name="s"),
        out_type=jax.ShapeDtypeStruct((2 * BATCH, HALF), jnp.float32),
        scratch_types=[
            pltpu.VMEM((n2,), jnp.int32),
            pltpu.VMEM((nchunk, CHUNK), jnp.int32),
            pltpu.VMEM((n2, HALF), jnp.float32),
            pltpu.SemaphoreType.DMA,
        ],
        compiler_params=pltpu.CompilerParams(use_tc_tiling_on_sc=False),
    )
    def run(coords_hbm, tbl_hbm, out_hbm, coords_v, idx_v, rows_v, sem):
        wid = lax.axis_index("s") * info.num_cores + lax.axis_index("c")
        base = wid * n2
        pltpu.sync_copy(coords_hbm.at[pl.ds(base, n2)], coords_v)

        parity = lax.iota(jnp.int32, LANES) & 1
        per_chunk = CHUNK // LANES
        for i in range(n2 // LANES):
            v = coords_v[pl.ds(i * LANES, LANES)]
            idx_v[i // per_chunk, pl.ds((i % per_chunk) * LANES, LANES)] = (
                v * 2 + parity
            )

        copies = [
            pltpu.async_copy(
                tbl_hbm.at[idx_v.at[j]],
                rows_v.at[pl.ds(j * CHUNK, CHUNK)],
                sem,
            )
            for j in range(nchunk)
        ]
        for c in copies:
            c.wait()
        pltpu.sync_copy(rows_v, out_hbm.at[pl.ds(base, n2)])

    return run(coords, tbl).reshape(BATCH, 1, CHANNELS)

# --- scband reference (transcript-rebuilt; emitter-appended) ---
"""Pipeline reference for scband-spatial-encoding-5162550690437 (READ-ONLY COPY).

The authoritative reference and input builder live on the scoring server;
editing this copy changes nothing except your own understanding.
"""

import jax, jax.numpy as jnp
import numpy as np

CHANNELS = 128
MAX_LEN = 1000
BATCH = 16384


def _build_pos_enc():
    X = np.arange(MAX_LEN, dtype=np.float32).reshape(-1, 1) / np.power(
        10000.0, np.arange(0, CHANNELS, 2, dtype=np.float32) / CHANNELS
    )
    pe = np.zeros((1, MAX_LEN, CHANNELS), dtype=np.float32)
    pe[:, :, 0::2] = np.sin(X)
    pe[:, :, 1::2] = np.cos(X)
    return jnp.asarray(pe)


def setup_inputs(seed: int = 0) -> dict:
    key = jax.random.key(seed)
    spatial_coord = jax.random.randint(key, (BATCH, 2), 0, MAX_LEN, dtype=jnp.int32)
    return {"spatial_coord": spatial_coord, "pos_enc": _build_pos_enc()}


def reference(spatial_coord, pos_enc):
    half = CHANNELS // 2
    idx_row = spatial_coord[:, 0]
    idx_col = spatial_coord[:, 1]
    # gather rows from the positional-encoding table (embedding lookup)
    row_pos_enc = pos_enc[:, idx_row, :half]   # (1, B, half)
    col_pos_enc = pos_enc[:, idx_col, half:]   # (1, B, channels-half)
    out = jnp.concatenate([row_pos_enc, col_pos_enc], axis=-1)  # (1, B, channels)
    return jnp.transpose(out, (1, 0, 2))  # (B, 1, channels)

if __name__ == "__main__":
    import jax
    _d = setup_inputs()
    print(jax.jit(kernel)(*tuple(_d.values())))

</pallas_src>

<mosaic_0001>
#map = affine_map<(d0, d1) -> (0)>
#map1 = affine_map<(d0, d1) -> (0, 0)>
module attributes {stable_mosaic.version = 14 : i64} {
  func.func @run(%arg0: i32, %arg1: i32, %arg2: memref<32768xi32, #tpu.memory_space<hbm>>, %arg3: memref<2000x64xf32, #tpu.memory_space<hbm>>, %arg4: memref<32768x64xf32, #tpu.memory_space<hbm>>, %arg5: memref<1024xi32, #tpu.memory_space<vmem>>, %arg6: memref<8x128xi32, #tpu.memory_space<vmem>>, %arg7: memref<1024x64xf32, #tpu.memory_space<vmem>>, %arg8: memref<!tpu.dma_semaphore, #tpu.memory_space<semaphore_mem>>) attributes {dimension_semantics = [#tpu.dimension_semantics<core_parallel>, #tpu.dimension_semantics<subcore_parallel>], iteration_bounds = array<i64: 2, 16>, scalar_prefetch = 0 : i64, scratch_operands = 4 : i64, tpu.core_type = #tpu.core_type<sc_vector_subcore>, window_params = [{transform_indices = #map}, {transform_indices = #map1}, {transform_indices = #map1}]} {
    %mul3A = arith.constant 2 : i32
    %mul3A_0 = arith.muli %arg1, %mul3A : i32
    %add3A = arith.addi %mul3A_0, %arg0 : i32
    %mul3A_1 = arith.constant 1024 : i32
    %mul3A_2 = arith.muli %add3A, %mul3A_1 : i32
    "tpu.region"() ({
      %run_scoped3A = tpu.sem_alloc : memref<!tpu.dma_semaphore, #tpu.memory_space<semaphore_mem>>
      %dma_start3A_993 = tpu.memref_slice %arg2[%mul3A_2] : memref<32768xi32, #tpu.memory_space<hbm>> -> memref<1024xi32, #tpu.memory_space<hbm>>
      %dma_start3A_994 = tpu.memref_slice %arg2[%mul3A_2] : memref<32768xi32, #tpu.memory_space<hbm>> -> memref<1024xi32, #tpu.memory_space<hbm>>
      tpu.enqueue_dma source(%dma_start3A_994 : memref<1024xi32, #tpu.memory_space<hbm>>) target(%arg5 : memref<1024xi32, #tpu.memory_space<vmem>>) target_semaphore(%run_scoped3A : memref<!tpu.dma_semaphore, #tpu.memory_space<semaphore_mem>>)
      %dma_wait3A_995 = tpu.memref_slice %arg2[%mul3A_2] : memref<32768xi32, #tpu.memory_space<hbm>> -> memref<1024xi32, #tpu.memory_space<hbm>>
      %dma_wait3A_996 = tpu.memref_slice %arg2[%mul3A_2] : memref<32768xi32, #tpu.memory_space<hbm>> -> memref<1024xi32, #tpu.memory_space<hbm>>
      tpu.wait_dma2 semaphore(%run_scoped3A : memref<!tpu.dma_semaphore, #tpu.memory_space<semaphore_mem>>) src(%dma_wait3A_996 : memref<1024xi32, #tpu.memory_space<hbm>>) dst(%arg5 : memref<1024xi32, #tpu.memory_space<vmem>>)
      tpu.yield
    }) : () -> ()
    %iota3A = tpu.iota {dimensions = array<i32: 0>} : vector<16xi32>
    %and3A = arith.constant 1 : i32
    %and3A_3 = vector.broadcast %and3A : i32 to vector<16xi32>
    %and3A_4 = arith.andi %iota3A, %and3A_3 : vector<16xi32>
    %get3A = arith.constant 0 : index
    %get3A_5 = tpu.vector_load %arg5[%get3A] {strides = array<i32>} : memref<1024xi32, #tpu.memory_space<vmem>>, vector<16xi32>,
    %get3A_6 = vector.shape_cast %get3A_5 : vector<16xi32> to vector<16xi32>
    %mul3A_7 = arith.constant 2 : i32
    %mul3A_8 = vector.broadcast %mul3A_7 : i32 to vector<16xi32>
    %mul3A_9 = arith.muli %get3A_6, %mul3A_8 : vector<16xi32>
    %add3A_10 = arith.addi %mul3A_9, %and3A_4 : vector<16xi32>
    %swap3A = arith.constant 0 : i32
    %swap3A_11 = arith.index_cast %swap3A : i32 to index
    %swap3A_12 = arith.constant 0 : index
    %swap3A_13 = tpu.vector_load %arg6[%swap3A_11, %swap3A_12] {strides = array<i32>} : memref<8x128xi32, #tpu.memory_space<vmem>>, vector<1x16xi32>,
    %swap3A_14 = vector.shape_cast %swap3A_13 : vector<1x16xi32> to vector<16xi32>
    %swap3A_15 = vector.shape_cast %add3A_10 : vector<16xi32> to vector<1x16xi32>
    tpu.vector_store %arg6[%swap3A_11, %swap3A_12], %swap3A_15 {strides = array<i32>} : memref<8x128xi32, #tpu.memory_space<vmem>>, vector<1x16xi32>,
    %get3A_16 = arith.constant 16 : index
    %get3A_17 = tpu.vector_load %arg5[%get3A_16] {strides = array<i32>} : memref<1024xi32, #tpu.memory_space<vmem>>, vector<16xi32>,
    %get3A_18 = vector.shape_cast %get3A_17 : vector<16xi32> to vector<16xi32>
    %mul3A_19 = arith.constant 2 : i32
    %mul3A_20 = vector.broadcast %mul3A_19 : i32 to vector<16xi32>
    %mul3A_21 = arith.muli %get3A_18, %mul3A_20 : vector<16xi32>
    %add3A_22 = arith.addi %mul3A_21, %and3A_4 : vector<16xi32>
    %swap3A_23 = arith.constant 0 : i32
    %swap3A_24 = arith.index_cast %swap3A_23 : i32 to index
    %swap3A_25 = arith.constant 16 : index
    %swap3A_26 = tpu.vector_load %arg6[%swap3A_24, %swap3A_25] {strides = array<i32>} : memref<8x128xi32, #tpu.memory_space<vmem>>, vector<1x16xi32>,
    %swap3A_27 = vector.shape_cast %swap3A_26 : vector<1x16xi32> to vector<16xi32>
    %swap3A_28 = vector.shape_cast %add3A_22 : vector<16xi32> to vector<1x16xi32>
    tpu.vector_store %arg6[%swap3A_24, %swap3A_25], %swap3A_28 {strides = array<i32>} : memref<8x128xi32, #tpu.memory_space<vmem>>, vector<1x16xi32>,
    %get3A_29 = arith.constant 32 : index
    %get3A_30 = tpu.vector_load %arg5[%get3A_29] {strides = array<i32>} : memref<1024xi32, #tpu.memory_space<vmem>>, vector<16xi32>,
    %get3A_31 = vector.shape_cast %get3A_30 : vector<16xi32> to vector<16xi32>
    %mul3A_32 = arith.constant 2 : i32
    %mul3A_33 = vector.broadcast %mul3A_32 : i32 to vector<16xi32>
    %mul3A_34 = arith.muli %get3A_31, %mul3A_33 : vector<16xi32>
    %add3A_35 = arith.addi %mul3A_34, %and3A_4 : vector<16xi32>
    %swap3A_36 = arith.constant 0 : i32
    %swap3A_37 = arith.index_cast %swap3A_36 : i32 to index
    %swap3A_38 = arith.constant 32 : index
    %swap3A_39 = tpu.vector_load %arg6[%swap3A_37, %swap3A_38] {strides = array<i32>} : memref<8x128xi32, #tpu.memory_space<vmem>>, vector<1x16xi32>,
    %swap3A_40 = vector.shape_cast %swap3A_39 : vector<1x16xi32> to vector<16xi32>
    %swap3A_41 = vector.shape_cast %add3A_35 : vector<16xi32> to vector<1x16xi32>
    tpu.vector_store %arg6[%swap3A_37, %swap3A_38], %swap3A_41 {strides = array<i32>} : memref<8x128xi32, #tpu.memory_space<vmem>>, vector<1x16xi32>,
    %get3A_42 = arith.constant 48 : index
    %get3A_43 = tpu.vector_load %arg5[%get3A_42] {strides = array<i32>} : memref<1024xi32, #tpu.memory_space<vmem>>, vector<16xi32>,
    %get3A_44 = vector.shape_cast %get3A_43 : vector<16xi32> to vector<16xi32>
    %mul3A_45 = arith.constant 2 : i32
    %mul3A_46 = vector.broadcast %mul3A_45 : i32 to vector<16xi32>
    %mul3A_47 = arith.muli %get3A_44, %mul3A_46 : vector<16xi32>
    %add3A_48 = arith.addi %mul3A_47, %and3A_4 : vector<16xi32>
    %swap3A_49 = arith.constant 0 : i32
    %swap3A_50 = arith.index_cast %swap3A_49 : i32 to index
    %swap3A_51 = arith.constant 48 : index
    %swap3A_52 = tpu.vector_load %arg6[%swap3A_50, %swap3A_51] {strides = array<i32>} : memref<8x128xi32, #tpu.memory_space<vmem>>, vector<1x16xi32>,
    %swap3A_53 = vector.shape_cast %swap3A_52 : vector<1x16xi32> to vector<16xi32>
    %swap3A_54 = vector.shape_cast %add3A_48 : vector<16xi32> to vector<1x16xi32>
    tpu.vector_store %arg6[%swap3A_50, %swap3A_51], %swap3A_54 {strides = array<i32>} : memref<8x128xi32, #tpu.memory_space<vmem>>, vector<1x16xi32>,
    %get3A_55 = arith.constant 64 : index
    %get3A_56 = tpu.vector_load %arg5[%get3A_55] {strides = array<i32>} : memref<1024xi32, #tpu.memory_space<vmem>>, vector<16xi32>,
    %get3A_57 = vector.shape_cast %get3A_56 : vector<16xi32> to vector<16xi32>
    %mul3A_58 = arith.constant 2 : i32
    %mul3A_59 = vector.broadcast %mul3A_58 : i32 to vector<16xi32>
    %mul3A_60 = arith.muli %get3A_57, %mul3A_59 : vector<16xi32>
    %add3A_61 = arith.addi %mul3A_60, %and3A_4 : vector<16xi32>
    %swap3A_62 = arith.constant 0 : i32
    %swap3A_63 = arith.index_cast %swap3A_62 : i32 to index
    %swap3A_64 = arith.constant 64 : index
    %swap3A_65 = tpu.vector_load %arg6[%swap3A_63, %swap3A_64] {strides = array<i32>} : memref<8x128xi32, #tpu.memory_space<vmem>>, vector<1x16xi32>,
    %swap3A_66 = vector.shape_cast %swap3A_65 : vector<1x16xi32> to vector<16xi32>
    %swap3A_67 = vector.shape_cast %add3A_61 : vector<16xi32> to vector<1x16xi32>
    tpu.vector_store %arg6[%swap3A_63, %swap3A_64], %swap3A_67 {strides = array<i32>} : memref<8x128xi32, #tpu.memory_space<vmem>>, vector<1x16xi32>,
    %get3A_68 = arith.constant 80 : index
    %get3A_69 = tpu.vector_load %arg5[%get3A_68] {strides = array<i32>} : memref<1024xi32, #tpu.memory_space<vmem>>, vector<16xi32>,
    %get3A_70 = vector.shape_cast %get3A_69 : vector<16xi32> to vector<16xi32>
    %mul3A_71 = arith.constant 2 : i32
    %mul3A_72 = vector.broadcast %mul3A_71 : i32 to vector<16xi32>
    %mul3A_73 = arith.muli %get3A_70, %mul3A_72 : vector<16xi32>
    %add3A_74 = arith.addi %mul3A_73, %and3A_4 : vector<16xi32>
    %swap3A_75 = arith.constant 0 : i32
    %swap3A_76 = arith.index_cast %swap3A_75 : i32 to index
    %swap3A_77 = arith.constant 80 : index
    %swap3A_78 = tpu.vector_load %arg6[%swap3A_76, %swap3A_77] {strides = array<i32>} : memref<8x128xi32, #tpu.memory_space<vmem>>, vector<1x16xi32>,
    %swap3A_79 = vector.shape_cast %swap3A_78 : vector<1x16xi32> to vector<16xi32>
    %swap3A_80 = vector.shape_cast %add3A_74 : vector<16xi32> to vector<1x16xi32>
    tpu.vector_store %arg6[%swap3A_76, %swap3A_77], %swap3A_80 {strides = array<i32>} : memref<8x128xi32, #tpu.memory_space<vmem>>, vector<1x16xi32>,
    %get3A_81 = arith.constant 96 : index
    %get3A_82 = tpu.vector_load %arg5[%get3A_81] {strides = array<i32>} : memref<1024xi32, #tpu.memory_space<vmem>>, vector<16xi32>,
    %get3A_83 = vector.shape_cast %get3A_82 : vector<16xi32> to vector<16xi32>
    %mul3A_84 = arith.constant 2 : i32
    %mul3A_85 = vector.broadcast %mul3A_84 : i32 to vector<16xi32>
    %mul3A_86 = arith.muli %get3A_83, %mul3A_85 : vector<16xi32>
    %add3A_87 = arith.addi %mul3A_86, %and3A_4 : vector<16xi32>
    %swap3A_88 = arith.constant 0 : i32
    %swap3A_89 = arith.index_cast %swap3A_88 : i32 to index
    %swap3A_90 = arith.constant 96 : index
    %swap3A_91 = tpu.vector_load %arg6[%swap3A_89, %swap3A_90] {strides = array<i32>} : memref<8x128xi32, #tpu.memory_space<vmem>>, vector<1x16xi32>,
    %swap3A_92 = vector.shape_cast %swap3A_91 : vector<1x16xi32> to vector<16xi32>
    %swap3A_93 = vector.shape_cast %add3A_87 : vector<16xi32> to vector<1x16xi32>
    tpu.vector_store %arg6[%swap3A_89, %swap3A_90], %swap3A_93 {strides = array<i32>} : memref<8x128xi32, #tpu.memory_space<vmem>>, vector<1x16xi32>,
    %get3A_94 = arith.constant 112 : index
    %get3A_95 = tpu.vector_load %arg5[%get3A_94] {strides = array<i32>} : memref<1024xi32, #tpu.memory_space<vmem>>, vector<16xi32>,
    %get3A_96 = vector.shape_cast %get3A_95 : vector<16xi32> to vector<16xi32>
    %mul3A_97 = arith.constant 2 : i32
    %mul3A_98 = vector.broadcast %mul3A_97 : i32 to vector<16xi32>
    %mul3A_99 = arith.muli %get3A_96, %mul3A_98 : vector<16xi32>
    %add3A_100 = arith.addi %mul3A_99, %and3A_4 : vector<16xi32>
    %swap3A_101 = arith.constant 0 : i32
    %swap3A_102 = arith.index_cast %swap3A_101 : i32 to index
    %swap3A_103 = arith.constant 112 : index
    %swap3A_104 = tpu.vector_load %arg6[%swap3A_102, %swap3A_103] {strides = array<i32>} : memref<8x128xi32, #tpu.memory_space<vmem>>, vector<1x16xi32>,
    %swap3A_105 = vector.shape_cast %swap3A_104 : vector<1x16xi32> to vector<16xi32>
    %swap3A_106 = vector.shape_cast %add3A_100 : vector<16xi32> to vector<1x16xi32>
    tpu.vector_store %arg6[%swap3A_102, %swap3A_103], %swap3A_106 {strides = array<i32>} : memref<8x128xi32, #tpu.memory_space<vmem>>, vector<1x16xi32>,
    %get3A_107 = arith.constant 128 : index
    %get3A_108 = tpu.vector_load %arg5[%get3A_107] {strides = array<i32>} : memref<1024xi32, #tpu.memory_space<vmem>>, vector<16xi32>,
    %get3A_109 = vector.shape_cast %get3A_108 : vector<16xi32> to vector<16xi32>
    %mul3A_110 = arith.constant 2 : i32
    %mul3A_111 = vector.broadcast %mul3A_110 : i32 to vector<16xi32>
    %mul3A_112 = arith.muli %get3A_109, %mul3A_111 : vector<16xi32>
    %add3A_113 = arith.addi %mul3A_112, %and3A_4 : vector<16xi32>
    %swap3A_114 = arith.constant 1 : i32
    %swap3A_115 = arith.index_cast %swap3A_114 : i32 to index
    %swap3A_116 = arith.constant 0 : index
    %swap3A_117 = tpu.vector_load %arg6[%swap3A_115, %swap3A_116] {strides = array<i32>} : memref<8x128xi32, #tpu.memory_space<vmem>>, vector<1x16xi32>,
    %swap3A_118 = vector.shape_cast %swap3A_117 : vector<1x16xi32> to vector<16xi32>
    %swap3A_119 = vector.shape_cast %add3A_113 : vector<16xi32> to vector<1x16xi32>
    tpu.vector_store %arg6[%swap3A_115, %swap3A_116], %swap3A_119 {strides = array<i32>} : memref<8x128xi32, #tpu.memory_space<vmem>>, vector<1x16xi32>,
    %get3A_120 = arith.constant 144 : index
    %get3A_121 = tpu.vector_load %arg5[%get3A_120] {strides = array<i32>} : memref<1024xi32, #tpu.memory_space<vmem>>, vector<16xi32>,
    %get3A_122 = vector.shape_cast %get3A_121 : vector<16xi32> to vector<16xi32>
    %mul3A_123 = arith.constant 2 : i32
    %mul3A_124 = vector.broadcast %mul3A_123 : i32 to vector<16xi32>
    %mul3A_125 = arith.muli %get3A_122, %mul3A_124 : vector<16xi32>
    %add3A_126 = arith.addi %mul3A_125, %and3A_4 : vector<16xi32>
    %swap3A_127 = arith.constant 1 : i32
    %swap3A_128 = arith.index_cast %swap3A_127 : i32 to index
    %swap3A_129 = arith.constant 16 : index
    %swap3A_130 = tpu.vector_load %arg6[%swap3A_128, %swap3A_129] {strides = array<i32>} : memref<8x128xi32, #tpu.memory_space<vmem>>, vector<1x16xi32>,
    %swap3A_131 = vector.shape_cast %swap3A_130 : vector<1x16xi32> to vector<16xi32>
    %swap3A_132 = vector.shape_cast %add3A_126 : vector<16xi32> to vector<1x16xi32>
    tpu.vector_store %arg6[%swap3A_128, %swap3A_129], %swap3A_132 {strides = array<i32>} : memref<8x128xi32, #tpu.memory_space<vmem>>, vector<1x16xi32>,
    %get3A_133 = arith.constant 160 : index
    %get3A_134 = tpu.vector_load %arg5[%get3A_133] {strides = array<i32>} : memref<1024xi32, #tpu.memory_space<vmem>>, vector<16xi32>,
    %get3A_135 = vector.shape_cast %get3A_134 : vector<16xi32> to vector<16xi32>
    %mul3A_136 = arith.constant 2 : i32
    %mul3A_137 = vector.broadcast %mul3A_136 : i32 to vector<16xi32>
    %mul3A_138 = arith.muli %get3A_135, %mul3A_137 : vector<16xi32>
    %add3A_139 = arith.addi %mul3A_138, %and3A_4 : vector<16xi32>
    %swap3A_140 = arith.constant 1 : i32
    %swap3A_141 = arith.index_cast %swap3A_140 : i32 to index
    %swap3A_142 = arith.constant 32 : index
    %swap3A_143 = tpu.vector_load %arg6[%swap3A_141, %swap3A_142] {strides = array<i32>} : memref<8x128xi32, #tpu.memory_space<vmem>>, vector<1x16xi32>,
    %swap3A_144 = vector.shape_cast %swap3A_143 : vector<1x16xi32> to vector<16xi32>
    %swap3A_145 = vector.shape_cast %add3A_139 : vector<16xi32> to vector<1x16xi32>
    tpu.vector_store %arg6[%swap3A_141, %swap3A_142], %swap3A_145 {strides = array<i32>} : memref<8x128xi32, #tpu.memory_space<vmem>>, vector<1x16xi32>,
    %get3A_146 = arith.constant 176 : index
    %get3A_147 = tpu.vector_load %arg5[%get3A_146] {strides = array<i32>} : memref<1024xi32, #tpu.memory_space<vmem>>, vector<16xi32>,
    %get3A_148 = vector.shape_cast %get3A_147 : vector<16xi32> to vector<16xi32>
    %mul3A_149 = arith.constant 2 : i32
    %mul3A_150 = vector.broadcast %mul3A_149 : i32 to vector<16xi32>
    %mul3A_151 = arith.muli %get3A_148, %mul3A_150 : vector<16xi32>
    %add3A_152 = arith.addi %mul3A_151, %and3A_4 : vector<16xi32>
    %swap3A_153 = arith.constant 1 : i32
    %swap3A_154 = arith.index_cast %swap3A_153 : i32 to index
    %swap3A_155 = arith.constant 48 : index
    %swap3A_156 = tpu.vector_load %arg6[%swap3A_154, %swap3A_155] {strides = array<i32>} : memref<8x128xi32, #tpu.memory_space<vmem>>, vector<1x16xi32>,
    %swap3A_157 = vector.shape_cast %swap3A_156 : vector<1x16xi32> to vector<16xi32>
    %swap3A_158 = vector.shape_cast %add3A_152 : vector<16xi32> to vector<1x16xi32>
    tpu.vector_store %arg6[%swap3A_154, %swap3A_155], %swap3A_158 {strides = array<i32>} : memref<8x128xi32, #tpu.memory_space<vmem>>, vector<1x16xi32>,
    %get3A_159 = arith.constant 192 : index
    %get3A_160 = tpu.vector_load %arg5[%get3A_159] {strides = array<i32>} : memref<1024xi32, #tpu.memory_space<vmem>>, vector<16xi32>,
    %get3A_161 = vector.shape_cast %get3A_160 : vector<16xi32> to vector<16xi32>
    %mul3A_162 = arith.constant 2 : i32
    %mul3A_163 = vector.broadcast %mul3A_162 : i32 to vector<16xi32>
    %mul3A_164 = arith.muli %get3A_161, %mul3A_163 : vector<16xi32>
    %add3A_165 = arith.addi %mul3A_164, %and3A_4 : vector<16xi32>
    %swap3A_166 = arith.constant 1 : i32
    %swap3A_167 = arith.index_cast %swap3A_166 : i32 to index
    %swap3A_168 = arith.constant 64 : index
    %swap3A_169 = tpu.vector_load %arg6[%swap3A_167, %swap3A_168] {strides = array<i32>} : memref<8x128xi32, #tpu.memory_space<vmem>>, vector<1x16xi32>,
    %swap3A_170 = vector.shape_cast %swap3A_169 : vector<1x16xi32> to vector<16xi32>
    %swap3A_171 = vector.shape_cast %add3A_165 : vector<16xi32> to vector<1x16xi32>
    tpu.vector_store %arg6[%swap3A_167, %swap3A_168], %swap3A_171 {strides = array<i32>} : memref<8x128xi32, #tpu.memory_space<vmem>>, vector<1x16xi32>,
    %get3A_172 = arith.constant 208 : index
    %get3A_173 = tpu.vector_load %arg5[%get3A_172] {strides = array<i32>} : memref<1024xi32, #tpu.memory_space<vmem>>, vector<16xi32>,
    %get3A_174 = vector.shape_cast %get3A_173 : vector<16xi32> to vector<16xi32>
    %mul3A_175 = arith.constant 2 : i32
    %mul3A_176 = vector.broadcast %mul3A_175 : i32 to vector<16xi32>
    %mul3A_177 = arith.muli %get3A_174, %mul3A_176 : vector<16xi32>
    %add3A_178 = arith.addi %mul3A_177, %and3A_4 : vector<16xi32>
    %swap3A_179 = arith.constant 1 : i32
    %swap3A_180 = arith.index_cast %swap3A_179 : i32 to index
    %swap3A_181 = arith.constant 80 : index
    %swap3A_182 = tpu.vector_load %arg6[%swap3A_180, %swap3A_181] {strides = array<i32>} : memref<8x128xi32, #tpu.memory_space<vmem>>, vector<1x16xi32>,
    %swap3A_183 = vector.shape_cast %swap3A_182 : vector<1x16xi32> to vector<16xi32>
    %swap3A_184 = vector.shape_cast %add3A_178 : vector<16xi32> to vector<1x16xi32>
    tpu.vector_store %arg6[%swap3A_180, %swap3A_181], %swap3A_184 {strides = array<i32>} : memref<8x128xi32, #tpu.memory_space<vmem>>, vector<1x16xi32>,
    %get3A_185 = arith.constant 224 : index
    %get3A_186 = tpu.vector_load %arg5[%get3A_185] {strides = array<i32>} : memref<1024xi32, #tpu.memory_space<vmem>>, vector<16xi32>,
    %get3A_187 = vector.shape_cast %get3A_186 : vector<16xi32> to vector<16xi32>
    %mul3A_188 = arith.constant 2 : i32
    %mul3A_189 = vector.broadcast %mul3A_188 : i32 to vector<16xi32>
    %mul3A_190 = arith.muli %get3A_187, %mul3A_189 : vector<16xi32>
    %add3A_191 = arith.addi %mul3A_190, %and3A_4 : vector<16xi32>
    %swap3A_192 = arith.constant 1 : i32
    %swap3A_193 = arith.index_cast %swap3A_192 : i32 to index
    %swap3A_194 = arith.constant 96 : index
    %swap3A_195 = tpu.vector_load %arg6[%swap3A_193, %swap3A_194] {strides = array<i32>} : memref<8x128xi32, #tpu.memory_space<vmem>>, vector<1x16xi32>,
    %swap3A_196 = vector.shape_cast %swap3A_195 : vector<1x16xi32> to vector<16xi32>
    %swap3A_197 = vector.shape_cast %add3A_191 : vector<16xi32> to vector<1x16xi32>
    tpu.vector_store %arg6[%swap3A_193, %swap3A_194], %swap3A_197 {strides = array<i32>} : memref<8x128xi32, #tpu.memory_space<vmem>>, vector<1x16xi32>,
    %get3A_198 = arith.constant 240 : index
    %get3A_199 = tpu.vector_load %arg5[%get3A_198] {strides = array<i32>} : memref<1024xi32, #tpu.memory_space<vmem>>, vector<16xi32>,
    %get3A_200 = vector.shape_cast %get3A_199 : vector<16xi32> to vector<16xi32>
    %mul3A_201 = arith.constant 2 : i32
    %mul3A_202 = vector.broadcast %mul3A_201 : i32 to vector<16xi32>
    %mul3A_203 = arith.muli %get3A_200, %mul3A_202 : vector<16xi32>
    %add3A_204 = arith.addi %mul3A_203, %and3A_4 : vector<16xi32>
    %swap3A_205 = arith.constant 1 : i32
    %swap3A_206 = arith.index_cast %swap3A_205 : i32 to index
    %swap3A_207 = arith.constant 112 : index
    %swap3A_208 = tpu.vector_load %arg6[%swap3A_206, %swap3A_207] {strides = array<i32>} : memref<8x128xi32, #tpu.memory_space<vmem>>, vector<1x16xi32>,
    %swap3A_209 = vector.shape_cast %swap3A_208 : vector<1x16xi32> to vector<16xi32>
    %swap3A_210 = vector.shape_cast %add3A_204 : vector<16xi32> to vector<1x16xi32>
    tpu.vector_store %arg6[%swap3A_206, %swap3A_207], %swap3A_210 {strides = array<i32>} : memref<8x128xi32, #tpu.memory_space<vmem>>, vector<1x16xi32>,
    %get3A_211 = arith.constant 256 : index
    %get3A_212 = tpu.vector_load %arg5[%get3A_211] {strides = array<i32>} : memref<1024xi32, #tpu.memory_space<vmem>>, vector<16xi32>,
    %get3A_213 = vector.shape_cast %get3A_212 : vector<16xi32> to vector<16xi32>
    %mul3A_214 = arith.constant 2 : i32
    %mul3A_215 = vector.broadcast %mul3A_214 : i32 to vector<16xi32>
    %mul3A_216 = arith.muli %get3A_213, %mul3A_215 : vector<16xi32>
    %add3A_217 = arith.addi %mul3A_216, %and3A_4 : vector<16xi32>
    %swap3A_218 = arith.constant 2 : i32
    %swap3A_219 = arith.index_cast %swap3A_218 : i32 to index
    %swap3A_220 = arith.constant 0 : index
    %swap3A_221 = tpu.vector_load %arg6[%swap3A_219, %swap3A_220] {strides = array<i32>} : memref<8x128xi32, #tpu.memory_space<vmem>>, vector<1x16xi32>,
    %swap3A_222 = vector.shape_cast %swap3A_221 : vector<1x16xi32> to vector<16xi32>
    %swap3A_223 = vector.shape_cast %add3A_217 : vector<16xi32> to vector<1x16xi32>
    tpu.vector_store %arg6[%swap3A_219, %swap3A_220], %swap3A_223 {strides = array<i32>} : memref<8x128xi32, #tpu.memory_space<vmem>>, vector<1x16xi32>,
    %get3A_224 = arith.constant 272 : index
    %get3A_225 = tpu.vector_load %arg5[%get3A_224] {strides = array<i32>} : memref<1024xi32, #tpu.memory_space<vmem>>, vector<16xi32>,
    %get3A_226 = vector.shape_cast %get3A_225 : vector<16xi32> to vector<16xi32>
    %mul3A_227 = arith.constant 2 : i32
    %mul3A_228 = vector.broadcast %mul3A_227 : i32 to vector<16xi32>
    %mul3A_229 = arith.muli %get3A_226, %mul3A_228 : vector<16xi32>
    %add3A_230 = arith.addi %mul3A_229, %and3A_4 : vector<16xi32>
    %swap3A_231 = arith.constant 2 : i32
    %swap3A_232 = arith.index_cast %swap3A_231 : i32 to index
    %swap3A_233 = arith.constant 16 : index
    %swap3A_234 = tpu.vector_load %arg6[%swap3A_232, %swap3A_233] {strides = array<i32>} : memref<8x128xi32, #tpu.memory_space<vmem>>, vector<1x16xi32>,
    %swap3A_235 = vector.shape_cast %swap3A_234 : vector<1x16xi32> to vector<16xi32>
    %swap3A_236 = vector.shape_cast %add3A_230 : vector<16xi32> to vector<1x16xi32>
    tpu.vector_store %arg6[%swap3A_232, %swap3A_233], %swap3A_236 {strides = array<i32>} : memref<8x128xi32, #tpu.memory_space<vmem>>, vector<1x16xi32>,
    %get3A_237 = arith.constant 288 : index
    %get3A_238 = tpu.vector_load %arg5[%get3A_237] {strides = array<i32>} : memref<1024xi32, #tpu.memory_space<vmem>>, vector<16xi32>,
    %get3A_239 = vector.shape_cast %get3A_238 : vector<16xi32> to vector<16xi32>
    %mul3A_240 = arith.constant 2 : i32
    %mul3A_241 = vector.broadcast %mul3A_240 : i32 to vector<16xi32>
    %mul3A_242 = arith.muli %get3A_239, %mul3A_241 : vector<16xi32>
    %add3A_243 = arith.addi %mul3A_242, %and3A_4 : vector<16xi32>
    %swap3A_244 = arith.constant 2 : i32
    %swap3A_245 = arith.index_cast %swap3A_244 : i32 to index
    %swap3A_246 = arith.constant 32 : index
    %swap3A_247 = tpu.vector_load %arg6[%swap3A_245, %swap3A_246] {strides = array<i32>} : memref<8x128xi32, #tpu.memory_space<vmem>>, vector<1x16xi32>,
    %swap3A_248 = vector.shape_cast %swap3A_247 : vector<1x16xi32> to vector<16xi32>
    %swap3A_249 = vector.shape_cast %add3A_243 : vector<16xi32> to vector<1x16xi32>
    tpu.vector_store %arg6[%swap3A_245, %swap3A_246], %swap3A_249 {strides = array<i32>} : memref<8x128xi32, #tpu.memory_space<vmem>>, vector<1x16xi32>,
    %get3A_250 = arith.constant 304 : index
    %get3A_251 = tpu.vector_load %arg5[%get3A_250] {strides = array<i32>} : memref<1024xi32, #tpu.memory_space<vmem>>, vector<16xi32>,
    %get3A_252 = vector.shape_cast %get3A_251 : vector<16xi32> to vector<16xi32>
    %mul3A_253 = arith.constant 2 : i32
    %mul3A_254 = vector.broadcast %mul3A_253 : i32 to vector<16xi32>
    %mul3A_255 = arith.muli %get3A_252, %mul3A_254 : vector<16xi32>
    %add3A_256 = arith.addi %mul3A_255, %and3A_4 : vector<16xi32>
    %swap3A_257 = arith.constant 2 : i32
    %swap3A_258 = arith.index_cast %swap3A_257 : i32 to index
    %swap3A_259 = arith.constant 48 : index
    %swap3A_260 = tpu.vector_load %arg6[%swap3A_258, %swap3A_259] {strides = array<i32>} : memref<8x128xi32, #tpu.memory_space<vmem>>, vector<1x16xi32>,
    %swap3A_261 = vector.shape_cast %swap3A_260 : vector<1x16xi32> to vector<16xi32>
    %swap3A_262 = vector.shape_cast %add3A_256 : vector<16xi32> to vector<1x16xi32>
    tpu.vector_store %arg6[%swap3A_258, %swap3A_259], %swap3A_262 {strides = array<i32>} : memref<8x128xi32, #tpu.memory_space<vmem>>, vector<1x16xi32>,
    %get3A_263 = arith.constant 320 : index
    %get3A_264 = tpu.vector_load %arg5[%get3A_263] {strides = array<i32>} : memref<1024xi32, #tpu.memory_space<vmem>>, vector<16xi32>,
    %get3A_265 = vector.shape_cast %get3A_264 : vector<16xi32> to vector<16xi32>
    %mul3A_266 = arith.constant 2 : i32
    %mul3A_267 = vector.broadcast %mul3A_266 : i32 to vector<16xi32>
    %mul3A_268 = arith.muli %get3A_265, %mul3A_267 : vector<16xi32>
    %add3A_269 = arith.addi %mul3A_268, %and3A_4 : vector<16xi32>
    %swap3A_270 = arith.constant 2 : i32
    %swap3A_271 = arith.index_cast %swap3A_270 : i32 to index
    %swap3A_272 = arith.constant 64 : index
    %swap3A_273 = tpu.vector_load %arg6[%swap3A_271, %swap3A_272] {strides = array<i32>} : memref<8x128xi32, #tpu.memory_space<vmem>>, vector<1x16xi32>,
    %swap3A_274 = vector.shape_cast %swap3A_273 : vector<1x16xi32> to vector<16xi32>
    %swap3A_275 = vector.shape_cast %add3A_269 : vector<16xi32> to vector<1x16xi32>
    tpu.vector_store %arg6[%swap3A_271, %swap3A_272], %swap3A_275 {strides = array<i32>} : memref<8x128xi32, #tpu.memory_space<vmem>>, vector<1x16xi32>,
    %get3A_276 = arith.constant 336 : index
    %get3A_277 = tpu.vector_load %arg5[%get3A_276] {strides = array<i32>} : memref<1024xi32, #tpu.memory_space<vmem>>, vector<16xi32>,
    %get3A_278 = vector.shape_cast %get3A_277 : vector<16xi32> to vector<16xi32>
    %mul3A_279 = arith.constant 2 : i32
    %mul3A_280 = vector.broadcast %mul3A_279 : i32 to vector<16xi32>
    %mul3A_281 = arith.muli %get3A_278, %mul3A_280 : vector<16xi32>
    %add3A_282 = arith.addi %mul3A_281, %and3A_4 : vector<16xi32>
    %swap3A_283 = arith.constant 2 : i32
    %swap3A_284 = arith.index_cast %swap3A_283 : i32 to index
    %swap3A_285 = arith.constant 80 : index
    %swap3A_286 = tpu.vector_load %arg6[%swap3A_284, %swap3A_285] {strides = array<i32>} : memref<8x128xi32, #tpu.memory_space<vmem>>, vector<1x16xi32>,
    %swap3A_287 = vector.shape_cast %swap3A_286 : vector<1x16xi32> to vector<16xi32>
    %swap3A_288 = vector.shape_cast %add3A_282 : vector<16xi32> to vector<1x16xi32>
    tpu.vector_store %arg6[%swap3A_284, %swap3A_285], %swap3A_288 {strides = array<i32>} : memref<8x128xi32, #tpu.memory_space<vmem>>, vector<1x16xi32>,
    %get3A_289 = arith.constant 352 : index
    %get3A_290 = tpu.vector_load %arg5[%get3A_289] {strides = array<i32>} : memref<1024xi32, #tpu.memory_space<vmem>>, vector<16xi32>,
    %get3A_291 = vector.shape_cast %get3A_290 : vector<16xi32> to vector<16xi32>
    %mul3A_292 = arith.constant 2 : i32
    %mul3A_293 = vector.broadcast %mul3A_292 : i32 to vector<16xi32>
    %mul3A_294 = arith.muli %get3A_291, %mul3A_293 : vector<16xi32>
    %add3A_295 = arith.addi %mul3A_294, %and3A_4 : vector<16xi32>
    %swap3A_296 = arith.constant 2 : i32
    %swap3A_297 = arith.index_cast %swap3A_296 : i32 to index
    %swap3A_298 = arith.constant 96 : index
    %swap3A_299 = tpu.vector_load %arg6[%swap3A_297, %swap3A_298] {strides = array<i32>} : memref<8x128xi32, #tpu.memory_space<vmem>>, vector<1x16xi32>,
    %swap3A_300 = vector.shape_cast %swap3A_299 : vector<1x16xi32> to vector<16xi32>
    %swap3A_301 = vector.shape_cast %add3A_295 : vector<16xi32> to vector<1x16xi32>
    tpu.vector_store %arg6[%swap3A_297, %swap3A_298], %swap3A_301 {strides = array<i32>} : memref<8x128xi32, #tpu.memory_space<vmem>>, vector<1x16xi32>,
    %get3A_302 = arith.constant 368 : index
    %get3A_303 = tpu.vector_load %arg5[%get3A_302] {strides = array<i32>} : memref<1024xi32, #tpu.memory_space<vmem>>, vector<16xi32>,
    %get3A_304 = vector.shape_cast %get3A_303 : vector<16xi32> to vector<16xi32>
    %mul3A_305 = arith.constant 2 : i32
    %mul3A_306 = vector.broadcast %mul3A_305 : i32 to vector<16xi32>
    %mul3A_307 = arith.muli %get3A_304, %mul3A_306 : vector<16xi32>
    %add3A_308 = arith.addi %mul3A_307, %and3A_4 : vector<16xi32>
    %swap3A_309 = arith.constant 2 : i32
    %swap3A_310 = arith.index_cast %swap3A_309 : i32 to index
    %swap3A_311 = arith.constant 112 : index
    %swap3A_312 = tpu.vector_load %arg6[%swap3A_310, %swap3A_311] {strides = array<i32>} : memref<8x128xi32, #tpu.memory_space<vmem>>, vector<1x16xi32>,
    %swap3A_313 = vector.shape_cast %swap3A_312 : vector<1x16xi32> to vector<16xi32>
    %swap3A_314 = vector.shape_cast %add3A_308 : vector<16xi32> to vector<1x16xi32>
    tpu.vector_store %arg6[%swap3A_310, %swap3A_311], %swap3A_314 {strides = array<i32>} : memref<8x128xi32, #tpu.memory_space<vmem>>, vector<1x16xi32>,
    %get3A_315 = arith.constant 384 : index
    %get3A_316 = tpu.vector_load %arg5[%get3A_315] {strides = array<i32>} : memref<1024xi32, #tpu.memory_space<vmem>>, vector<16xi32>,
    %get3A_317 = vector.shape_cast %get3A_316 : vector<16xi32> to vector<16xi32>
    %mul3A_318 = arith.constant 2 : i32
    %mul3A_319 = vector.broadcast %mul3A_318 : i32 to vector<16xi32>
    %mul3A_320 = arith.muli %get3A_317, %mul3A_319 : vector<16xi32>
    %add3A_321 = arith.addi %mul3A_320, %and3A_4 : vector<16xi32>
    %swap3A_322 = arith.constant 3 : i32
    %swap3A_323 = arith.index_cast %swap3A_322 : i32 to index
    %swap3A_324 = arith.constant 0 : index
    %swap3A_325 = tpu.vector_load %arg6[%swap3A_323, %swap3A_324] {strides = array<i32>} : memref<8x128xi32, #tpu.memory_space<vmem>>, vector<1x16xi32>,
    %swap3A_326 = vector.shape_cast %swap3A_325 : vector<1x16xi32> to vector<16xi32>
    %swap3A_327 = vector.shape_cast %add3A_321 : vector<16xi32> to vector<1x16xi32>
    tpu.vector_store %arg6[%swap3A_323, %swap3A_324], %swap3A_327 {strides = array<i32>} : memref<8x128xi32, #tpu.memory_space<vmem>>, vector<1x16xi32>,
    %get3A_328 = arith.constant 400 : index
    %get3A_329 = tpu.vector_load %arg5[%get3A_328] {strides = array<i32>} : memref<1024xi32, #tpu.memory_space<vmem>>, vector<16xi32>,
    %get3A_330 = vector.shape_cast %get3A_329 : vector<16xi32> to vector<16xi32>
    %mul3A_331 = arith.constant 2 : i32
    %mul3A_332 = vector.broadcast %mul3A_331 : i32 to vector<16xi32>
    %mul3A_333 = arith.muli %get3A_330, %mul3A_332 : vector<16xi32>
    %add3A_334 = arith.addi %mul3A_333, %and3A_4 : vector<16xi32>
    %swap3A_335 = arith.constant 3 : i32
    %swap3A_336 = arith.index_cast %swap3A_335 : i32 to index
    %swap3A_337 = arith.constant 16 : index
    %swap3A_338 = tpu.vector_load %arg6[%swap3A_336, %swap3A_337] {strides = array<i32>} : memref<8x128xi32, #tpu.memory_space<vmem>>, vector<1x16xi32>,
    %swap3A_339 = vector.shape_cast %swap3A_338 : vector<1x16xi32> to vector<16xi32>
    %swap3A_340 = vector.shape_cast %add3A_334 : vector<16xi32> to vector<1x16xi32>
    tpu.vector_store %arg6[%swap3A_336, %swap3A_337], %swap3A_340 {strides = array<i32>} : memref<8x128xi32, #tpu.memory_space<vmem>>, vector<1x16xi32>,
    %get3A_341 = arith.constant 416 : index
    %get3A_342 = tpu.vector_load %arg5[%get3A_341] {strides = array<i32>} : memref<1024xi32, #tpu.memory_space<vmem>>, vector<16xi32>,
    %get3A_343 = vector.shape_cast %get3A_342 : vector<16xi32> to vector<16xi32>
    %mul3A_344 = arith.constant 2 : i32
    %mul3A_345 = vector.broadcast %mul3A_344 : i32 to vector<16xi32>
    %mul3A_346 = arith.muli %get3A_343, %mul3A_345 : vector<16xi32>
    %add3A_347 = arith.addi %mul3A_346, %and3A_4 : vector<16xi32>
    %swap3A_348 = arith.constant 3 : i32
    %swap3A_349 = arith.index_cast %swap3A_348 : i32 to index
    %swap3A_350 = arith.constant 32 : index
    %swap3A_351 = tpu.vector_load %arg6[%swap3A_349, %swap3A_350] {strides = array<i32>} : memref<8x128xi32, #tpu.memory_space<vmem>>, vector<1x16xi32>,
    %swap3A_352 = vector.shape_cast %swap3A_351 : vector<1x16xi32> to vector<16xi32>
    %swap3A_353 = vector.shape_cast %add3A_347 : vector<16xi32> to vector<1x16xi32>
    tpu.vector_store %arg6[%swap3A_349, %swap3A_350], %swap3A_353 {strides = array<i32>} : memref<8x128xi32, #tpu.memory_space<vmem>>, vector<1x16xi32>,
    %get3A_354 = arith.constant 432 : index
    %get3A_355 = tpu.vector_load %arg5[%get3A_354] {strides = array<i32>} : memref<1024xi32, #tpu.memory_space<vmem>>, vector<16xi32>,
    %get3A_356 = vector.shape_cast %get3A_355 : vector<16xi32> to vector<16xi32>
    %mul3A_357 = arith.constant 2 : i32
    %mul3A_358 = vector.broadcast %mul3A_357 : i32 to vector<16xi32>
    %mul3A_359 = arith.muli %get3A_356, %mul3A_358 : vector<16xi32>
    %add3A_360 = arith.addi %mul3A_359, %and3A_4 : vector<16xi32>
    %swap3A_361 = arith.constant 3 : i32
    %swap3A_362 = arith.index_cast %swap3A_361 : i32 to index
    %swap3A_363 = arith.constant 48 : index
    %swap3A_364 = tpu.vector_load %arg6[%swap3A_362, %swap3A_363] {strides = array<i32>} : memref<8x128xi32, #tpu.memory_space<vmem>>, vector<1x16xi32>,
    %swap3A_365 = vector.shape_cast %swap3A_364 : vector<1x16xi32> to vector<16xi32>
    %swap3A_366 = vector.shape_cast %add3A_360 : vector<16xi32> to vector<1x16xi32>
    tpu.vector_store %arg6[%swap3A_362, %swap3A_363], %swap3A_366 {strides = array<i32>} : memref<8x128xi32, #tpu.memory_space<vmem>>, vector<1x16xi32>,
    %get3A_367 = arith.constant 448 : index
    %get3A_368 = tpu.vector_load %arg5[%get3A_367] {strides = array<i32>} : memref<1024xi32, #tpu.memory_space<vmem>>, vector<16xi32>,
    %get3A_369 = vector.shape_cast %get3A_368 : vector<16xi32> to vector<16xi32>
    %mul3A_370 = arith.constant 2 : i32
    %mul3A_371 = vector.broadcast %mul3A_370 : i32 to vector<16xi32>
    %mul3A_372 = arith.muli %get3A_369, %mul3A_371 : vector<16xi32>
    %add3A_373 = arith.addi %mul3A_372, %and3A_4 : vector<16xi32>
    %swap3A_374 = arith.constant 3 : i32
    %swap3A_375 = arith.index_cast %swap3A_374 : i32 to index
    %swap3A_376 = arith.constant 64 : index
    %swap3A_377 = tpu.vector_load %arg6[%swap3A_375, %swap3A_376] {strides = array<i32>} : memref<8x128xi32, #tpu.memory_space<vmem>>, vector<1x16xi32>,
    %swap3A_378 = vector.shape_cast %swap3A_377 : vector<1x16xi32> to vector<16xi32>
    %swap3A_379 = vector.shape_cast %add3A_373 : vector<16xi32> to vector<1x16xi32>
    tpu.vector_store %arg6[%swap3A_375, %swap3A_376], %swap3A_379 {strides = array<i32>} : memref<8x128xi32, #tpu.memory_space<vmem>>, vector<1x16xi32>,
    %get3A_380 = arith.constant 464 : index
    %get3A_381 = tpu.vector_load %arg5[%get3A_380] {strides = array<i32>} : memref<1024xi32, #tpu.memory_space<vmem>>, vector<16xi32>,
    %get3A_382 = vector.shape_cast %get3A_381 : vector<16xi32> to vector<16xi32>
    %mul3A_383 = arith.constant 2 : i32
    %mul3A_384 = vector.broadcast %mul3A_383 : i32 to vector<16xi32>
    %mul3A_385 = arith.muli %get3A_382, %mul3A_384 : vector<16xi32>
    %add3A_386 = arith.addi %mul3A_385, %and3A_4 : vector<16xi32>
    %swap3A_387 = arith.constant 3 : i32
    %swap3A_388 = arith.index_cast %swap3A_387 : i32 to index
    %swap3A_389 = arith.constant 80 : index
    %swap3A_390 = tpu.vector_load %arg6[%swap3A_388, %swap3A_389] {strides = array<i32>} : memref<8x128xi32, #tpu.memory_space<vmem>>, vector<1x16xi32>,
    %swap3A_391 = vector.shape_cast %swap3A_390 : vector<1x16xi32> to vector<16xi32>
    %swap3A_392 = vector.shape_cast %add3A_386 : vector<16xi32> to vector<1x16xi32>
    tpu.vector_store %arg6[%swap3A_388, %swap3A_389], %swap3A_392 {strides = array<i32>} : memref<8x128xi32, #tpu.memory_space<vmem>>, vector<1x16xi32>,
    %get3A_393 = arith.constant 480 : index
    %get3A_394 = tpu.vector_load %arg5[%get3A_393] {strides = array<i32>} : memref<1024xi32, #tpu.memory_space<vmem>>, vector<16xi32>,
    %get3A_395 = vector.shape_cast %get3A_394 : vector<16xi32> to vector<16xi32>
    %mul3A_396 = arith.constant 2 : i32
    %mul3A_397 = vector.broadcast %mul3A_396 : i32 to vector<16xi32>
    %mul3A_398 = arith.muli %get3A_395, %mul3A_397 : vector<16xi32>
    %add3A_399 = arith.addi %mul3A_398, %and3A_4 : vector<16xi32>
    %swap3A_400 = arith.constant 3 : i32
    %swap3A_401 = arith.index_cast %swap3A_400 : i32 to index
    %swap3A_402 = arith.constant 96 : index
    %swap3A_403 = tpu.vector_load %arg6[%swap3A_401, %swap3A_402] {strides = array<i32>} : memref<8x128xi32, #tpu.memory_space<vmem>>, vector<1x16xi32>,
    %swap3A_404 = vector.shape_cast %swap3A_403 : vector<1x16xi32> to vector<16xi32>
    %swap3A_405 = vector.shape_cast %add3A_399 : vector<16xi32> to vector<1x16xi32>
    tpu.vector_store %arg6[%swap3A_401, %swap3A_402], %swap3A_405 {strides = array<i32>} : memref<8x128xi32, #tpu.memory_space<vmem>>, vector<1x16xi32>,
    %get3A_406 = arith.constant 496 : index
    %get3A_407 = tpu.vector_load %arg5[%get3A_406] {strides = array<i32>} : memref<1024xi32, #tpu.memory_space<vmem>>, vector<16xi32>,
    %get3A_408 = vector.shape_cast %get3A_407 : vector<16xi32> to vector<16xi32>
    %mul3A_409 = arith.constant 2 : i32
    %mul3A_410 = vector.broadcast %mul3A_409 : i32 to vector<16xi32>
    %mul3A_411 = arith.muli %get3A_408, %mul3A_410 : vector<16xi32>
    %add3A_412 = arith.addi %mul3A_411, %and3A_4 : vector<16xi32>
    %swap3A_413 = arith.constant 3 : i32
    %swap3A_414 = arith.index_cast %swap3A_413 : i32 to index
    %swap3A_415 = arith.constant 112 : index
    %swap3A_416 = tpu.vector_load %arg6[%swap3A_414, %swap3A_415] {strides = array<i32>} : memref<8x128xi32, #tpu.memory_space<vmem>>, vector<1x16xi32>,
    %swap3A_417 = vector.shape_cast %swap3A_416 : vector<1x16xi32> to vector<16xi32>
    %swap3A_418 = vector.shape_cast %add3A_412 : vector<16xi32> to vector<1x16xi32>
    tpu.vector_store %arg6[%swap3A_414, %swap3A_415], %swap3A_418 {strides = array<i32>} : memref<8x128xi32, #tpu.memory_space<vmem>>, vector<1x16xi32>,
    %get3A_419 = arith.constant 512 : index
    %get3A_420 = tpu.vector_load %arg5[%get3A_419] {strides = array<i32>} : memref<1024xi32, #tpu.memory_space<vmem>>, vector<16xi32>,
    %get3A_421 = vector.shape_cast %get3A_420 : vector<16xi32> to vector<16xi32>
    %mul3A_422 = arith.constant 2 : i32
    %mul3A_423 = vector.broadcast %mul3A_422 : i32 to vector<16xi32>
    %mul3A_424 = arith.muli %get3A_421, %mul3A_423 : vector<16xi32>
    %add3A_425 = arith.addi %mul3A_424, %and3A_4 : vector<16xi32>
    %swap3A_426 = arith.constant 4 : i32
    %swap3A_427 = arith.index_cast %swap3A_426 : i32 to index
    %swap3A_428 = arith.constant 0 : index
    %swap3A_429 = tpu.vector_load %arg6[%swap3A_427, %swap3A_428] {strides = array<i32>} : memref<8x128xi32, #tpu.memory_space<vmem>>, vector<1x16xi32>,
    %swap3A_430 = vector.shape_cast %swap3A_429 : vector<1x16xi32> to vector<16xi32>
    %swap3A_431 = vector.shape_cast %add3A_425 : vector<16xi32> to vector<1x16xi32>
    tpu.vector_store %arg6[%swap3A_427, %swap3A_428], %swap3A_431 {strides = array<i32>} : memref<8x128xi32, #tpu.memory_space<vmem>>, vector<1x16xi32>,
    %get3A_432 = arith.constant 528 : index
    %get3A_433 = tpu.vector_load %arg5[%get3A_432] {strides = array<i32>} : memref<1024xi32, #tpu.memory_space<vmem>>, vector<16xi32>,
    %get3A_434 = vector.shape_cast %get3A_433 : vector<16xi32> to vector<16xi32>
    %mul3A_435 = arith.constant 2 : i32
    %mul3A_436 = vector.broadcast %mul3A_435 : i32 to vector<16xi32>
    %mul3A_437 = arith.muli %get3A_434, %mul3A_436 : vector<16xi32>
    %add3A_438 = arith.addi %mul3A_437, %and3A_4 : vector<16xi32>
    %swap3A_439 = arith.constant 4 : i32
    %swap3A_440 = arith.index_cast %swap3A_439 : i32 to index
    %swap3A_441 = arith.constant 16 : index
    %swap3A_442 = tpu.vector_load %arg6[%swap3A_440, %swap3A_441] {strides = array<i32>} : memref<8x128xi32, #tpu.memory_space<vmem>>, vector<1x16xi32>,
    %swap3A_443 = vector.shape_cast %swap3A_442 : vector<1x16xi32> to vector<16xi32>
    %swap3A_444 = vector.shape_cast %add3A_438 : vector<16xi32> to vector<1x16xi32>
    tpu.vector_store %arg6[%swap3A_440, %swap3A_441], %swap3A_444 {strides = array<i32>} : memref<8x128xi32, #tpu.memory_space<vmem>>, vector<1x16xi32>,
    %get3A_445 = arith.constant 544 : index
    %get3A_446 = tpu.vector_load %arg5[%get3A_445] {strides = array<i32>} : memref<1024xi32, #tpu.memory_space<vmem>>, vector<16xi32>,
    %get3A_447 = vector.shape_cast %get3A_446 : vector<16xi32> to vector<16xi32>
    %mul3A_448 = arith.constant 2 : i32
    %mul3A_449 = vector.broadcast %mul3A_448 : i32 to vector<16xi32>
    %mul3A_450 = arith.muli %get3A_447, %mul3A_449 : vector<16xi32>
    %add3A_451 = arith.addi %mul3A_450, %and3A_4 : vector<16xi32>
    %swap3A_452 = arith.constant 4 : i32
    %swap3A_453 = arith.index_cast %swap3A_452 : i32 to index
    %swap3A_454 = arith.constant 32 : index
    %swap3A_455 = tpu.vector_load %arg6[%swap3A_453, %swap3A_454] {strides = array<i32>} : memref<8x128xi32, #tpu.memory_space<vmem>>, vector<1x16xi32>,
    %swap3A_456 = vector.shape_cast %swap3A_455 : vector<1x16xi32> to vector<16xi32>
    %swap3A_457 = vector.shape_cast %add3A_451 : vector<16xi32> to vector<1x16xi32>
    tpu.vector_store %arg6[%swap3A_453, %swap3A_454], %swap3A_457 {strides = array<i32>} : memref<8x128xi32, #tpu.memory_space<vmem>>, vector<1x16xi32>,
    %get3A_458 = arith.constant 560 : index
    %get3A_459 = tpu.vector_load %arg5[%get3A_458] {strides = array<i32>} : memref<1024xi32, #tpu.memory_space<vmem>>, vector<16xi32>,
    %get3A_460 = vector.shape_cast %get3A_459 : vector<16xi32> to vector<16xi32>
    %mul3A_461 = arith.constant 2 : i32
    %mul3A_462 = vector.broadcast %mul3A_461 : i32 to vector<16xi32>
    %mul3A_463 = arith.muli %get3A_460, %mul3A_462 : vector<16xi32>
    %add3A_464 = arith.addi %mul3A_463, %and3A_4 : vector<16xi32>
    %swap3A_465 = arith.constant 4 : i32
    %swap3A_466 = arith.index_cast %swap3A_465 : i32 to index
    %swap3A_467 = arith.constant 48 : index
    %swap3A_468 = tpu.vector_load %arg6[%swap3A_466, %swap3A_467] {strides = array<i32>} : memref<8x128xi32, #tpu.memory_space<vmem>>, vector<1x16xi32>,
    %swap3A_469 = vector.shape_cast %swap3A_468 : vector<1x16xi32> to vector<16xi32>
    %swap3A_470 = vector.shape_cast %add3A_464 : vector<16xi32> to vector<1x16xi32>
    tpu.vector_store %arg6[%swap3A_466, %swap3A_467], %swap3A_470 {strides = array<i32>} : memref<8x128xi32, #tpu.memory_space<vmem>>, vector<1x16xi32>,
    %get3A_471 = arith.constant 576 : index
    %get3A_472 = tpu.vector_load %arg5[%get3A_471] {strides = array<i32>} : memref<1024xi32, #tpu.memory_space<vmem>>, vector<16xi32>,
    %get3A_473 = vector.shape_cast %get3A_472 : vector<16xi32> to vector<16xi32>
    %mul3A_474 = arith.constant 2 : i32
    %mul3A_475 = vector.broadcast %mul3A_474 : i32 to vector<16xi32>
    %mul3A_476 = arith.muli %get3A_473, %mul3A_475 : vector<16xi32>
    %add3A_477 = arith.addi %mul3A_476, %and3A_4 : vector<16xi32>
    %swap3A_478 = arith.constant 4 : i32
    %swap3A_479 = arith.index_cast %swap3A_478 : i32 to index
    %swap3A_480 = arith.constant 64 : index
    %swap3A_481 = tpu.vector_load %arg6[%swap3A_479, %swap3A_480] {strides = array<i32>} : memref<8x128xi32, #tpu.memory_space<vmem>>, vector<1x16xi32>,
    %swap3A_482 = vector.shape_cast %swap3A_481 : vector<1x16xi32> to vector<16xi32>
    %swap3A_483 = vector.shape_cast %add3A_477 : vector<16xi32> to vector<1x16xi32>
    tpu.vector_store %arg6[%swap3A_479, %swap3A_480], %swap3A_483 {strides = array<i32>} : memref<8x128xi32, #tpu.memory_space<vmem>>, vector<1x16xi32>,
    %get3A_484 = arith.constant 592 : index
    %get3A_485 = tpu.vector_load %arg5[%get3A_484] {strides = array<i32>} : memref<1024xi32, #tpu.memory_space<vmem>>, vector<16xi32>,
    %get3A_486 = vector.shape_cast %get3A_485 : vector<16xi32> to vector<16xi32>
    %mul3A_487 = arith.constant 2 : i32
    %mul3A_488 = vector.broadcast %mul3A_487 : i32 to vector<16xi32>
    %mul3A_489 = arith.muli %get3A_486, %mul3A_488 : vector<16xi32>
    %add3A_490 = arith.addi %mul3A_489, %and3A_4 : vector<16xi32>
    %swap3A_491 = arith.constant 4 : i32
    %swap3A_492 = arith.index_cast %swap3A_491 : i32 to index
    %swap3A_493 = arith.constant 80 : index
    %swap3A_494 = tpu.vector_load %arg6[%swap3A_492, %swap3A_493] {strides = array<i32>} : memref<8x128xi32, #tpu.memory_space<vmem>>, vector<1x16xi32>,
    %swap3A_495 = vector.shape_cast %swap3A_494 : vector<1x16xi32> to vector<16xi32>
    %swap3A_496 = vector.shape_cast %add3A_490 : vector<16xi32> to vector<1x16xi32>
    tpu.vector_store %arg6[%swap3A_492, %swap3A_493], %swap3A_496 {strides = array<i32>} : memref<8x128xi32, #tpu.memory_space<vmem>>, vector<1x16xi32>,
    %get3A_497 = arith.constant 608 : index
    %get3A_498 = tpu.vector_load %arg5[%get3A_497] {strides = array<i32>} : memref<1024xi32, #tpu.memory_space<vmem>>, vector<16xi32>,
    %get3A_499 = vector.shape_cast %get3A_498 : vector<16xi32> to vector<16xi32>
    %mul3A_500 = arith.constant 2 : i32
    %mul3A_501 = vector.broadcast %mul3A_500 : i32 to vector<16xi32>
    %mul3A_502 = arith.muli %get3A_499, %mul3A_501 : vector<16xi32>
    %add3A_503 = arith.addi %mul3A_502, %and3A_4 : vector<16xi32>
    %swap3A_504 = arith.constant 4 : i32
    %swap3A_505 = arith.index_cast %swap3A_504 : i32 to index
    %swap3A_506 = arith.constant 96 : index
    %swap3A_507 = tpu.vector_load %arg6[%swap3A_505, %swap3A_506] {strides = array<i32>} : memref<8x128xi32, #tpu.memory_space<vmem>>, vector<1x16xi32>,
    %swap3A_508 = vector.shape_cast %swap3A_507 : vector<1x16xi32> to vector<16xi32>
    %swap3A_509 = vector.shape_cast %add3A_503 : vector<16xi32> to vector<1x16xi32>
    tpu.vector_store %arg6[%swap3A_505, %swap3A_506], %swap3A_509 {strides = array<i32>} : memref<8x128xi32, #tpu.memory_space<vmem>>, vector<1x16xi32>,
    %get3A_510 = arith.constant 624 : index
    %get3A_511 = tpu.vector_load %arg5[%get3A_510] {strides = array<i32>} : memref<1024xi32, #tpu.memory_space<vmem>>, vector<16xi32>,
    %get3A_512 = vector.shape_cast %get3A_511 : vector<16xi32> to vector<16xi32>
    %mul3A_513 = arith.constant 2 : i32
    %mul3A_514 = vector.broadcast %mul3A_513 : i32 to vector<16xi32>
    %mul3A_515 = arith.muli %get3A_512, %mul3A_514 : vector<16xi32>
    %add3A_516 = arith.addi %mul3A_515, %and3A_4 : vector<16xi32>
    %swap3A_517 = arith.constant 4 : i32
    %swap3A_518 = arith.index_cast %swap3A_517 : i32 to index
    %swap3A_519 = arith.constant 112 : index
    %swap3A_520 = tpu.vector_load %arg6[%swap3A_518, %swap3A_519] {strides = array<i32>} : memref<8x128xi32, #tpu.memory_space<vmem>>, vector<1x16xi32>,
    %swap3A_521 = vector.shape_cast %swap3A_520 : vector<1x16xi32> to vector<16xi32>
    %swap3A_522 = vector.shape_cast %add3A_516 : vector<16xi32> to vector<1x16xi32>
    tpu.vector_store %arg6[%swap3A_518, %swap3A_519], %swap3A_522 {strides = array<i32>} : memref<8x128xi32, #tpu.memory_space<vmem>>, vector<1x16xi32>,
    %get3A_523 = arith.constant 640 : index
    %get3A_524 = tpu.vector_load %arg5[%get3A_523] {strides = array<i32>} : memref<1024xi32, #tpu.memory_space<vmem>>, vector<16xi32>,
    %get3A_525 = vector.shape_cast %get3A_524 : vector<16xi32> to vector<16xi32>
    %mul3A_526 = arith.constant 2 : i32
    %mul3A_527 = vector.broadcast %mul3A_526 : i32 to vector<16xi32>
    %mul3A_528 = arith.muli %get3A_525, %mul3A_527 : vector<16xi32>
    %add3A_529 = arith.addi %mul3A_528, %and3A_4 : vector<16xi32>
    %swap3A_530 = arith.constant 5 : i32
    %swap3A_531 = arith.index_cast %swap3A_530 : i32 to index
    %swap3A_532 = arith.constant 0 : index
    %swap3A_533 = tpu.vector_load %arg6[%swap3A_531, %swap3A_532] {strides = array<i32>} : memref<8x128xi32, #tpu.memory_space<vmem>>, vector<1x16xi32>,
    %swap3A_534 = vector.shape_cast %swap3A_533 : vector<1x16xi32> to vector<16xi32>
    %swap3A_535 = vector.shape_cast %add3A_529 : vector<16xi32> to vector<1x16xi32>
    tpu.vector_store %arg6[%swap3A_531, %swap3A_532], %swap3A_535 {strides = array<i32>} : memref<8x128xi32, #tpu.memory_space<vmem>>, vector<1x16xi32>,
    %get3A_536 = arith.constant 656 : index
    %get3A_537 = tpu.vector_load %arg5[%get3A_536] {strides = array<i32>} : memref<1024xi32, #tpu.memory_space<vmem>>, vector<16xi32>,
    %get3A_538 = vector.shape_cast %get3A_537 : vector<16xi32> to vector<16xi32>
    %mul3A_539 = arith.constant 2 : i32
    %mul3A_540 = vector.broadcast %mul3A_539 : i32 to vector<16xi32>
    %mul3A_541 = arith.muli %get3A_538, %mul3A_540 : vector<16xi32>
    %add3A_542 = arith.addi %mul3A_541, %and3A_4 : vector<16xi32>
    %swap3A_543 = arith.constant 5 : i32
    %swap3A_544 = arith.index_cast %swap3A_543 : i32 to index
    %swap3A_545 = arith.constant 16 : index
    %swap3A_546 = tpu.vector_load %arg6[%swap3A_544, %swap3A_545] {strides = array<i32>} : memref<8x128xi32, #tpu.memory_space<vmem>>, vector<1x16xi32>,
    %swap3A_547 = vector.shape_cast %swap3A_546 : vector<1x16xi32> to vector<16xi32>
    %swap3A_548 = vector.shape_cast %add3A_542 : vector<16xi32> to vector<1x16xi32>
    tpu.vector_store %arg6[%swap3A_544, %swap3A_545], %swap3A_548 {strides = array<i32>} : memref<8x128xi32, #tpu.memory_space<vmem>>, vector<1x16xi32>,
    %get3A_549 = arith.constant 672 : index
    %get3A_550 = tpu.vector_load %arg5[%get3A_549] {strides = array<i32>} : memref<1024xi32, #tpu.memory_space<vmem>>, vector<16xi32>,
    %get3A_551 = vector.shape_cast %get3A_550 : vector<16xi32> to vector<16xi32>
    %mul3A_552 = arith.constant 2 : i32
    %mul3A_553 = vector.broadcast %mul3A_552 : i32 to vector<16xi32>
    %mul3A_554 = arith.muli %get3A_551, %mul3A_553 : vector<16xi32>
    %add3A_555 = arith.addi %mul3A_554, %and3A_4 : vector<16xi32>
    %swap3A_556 = arith.constant 5 : i32
    %swap3A_557 = arith.index_cast %swap3A_556 : i32 to index
    %swap3A_558 = arith.constant 32 : index
    %swap3A_559 = tpu.vector_load %arg6[%swap3A_557, %swap3A_558] {strides = array<i32>} : memref<8x128xi32, #tpu.memory_space<vmem>>, vector<1x16xi32>,
    %swap3A_560 = vector.shape_cast %swap3A_559 : vector<1x16xi32> to vector<16xi32>
    %swap3A_561 = vector.shape_cast %add3A_555 : vector<16xi32> to vector<1x16xi32>
    tpu.vector_store %arg6[%swap3A_557, %swap3A_558], %swap3A_561 {strides = array<i32>} : memref<8x128xi32, #tpu.memory_space<vmem>>, vector<1x16xi32>,
    %get3A_562 = arith.constant 688 : index
    %get3A_563 = tpu.vector_load %arg5[%get3A_562] {strides = array<i32>} : memref<1024xi32, #tpu.memory_space<vmem>>, vector<16xi32>,
    %get3A_564 = vector.shape_cast %get3A_563 : vector<16xi32> to vector<16xi32>
    %mul3A_565 = arith.constant 2 : i32
    %mul3A_566 = vector.broadcast %mul3A_565 : i32 to vector<16xi32>
    %mul3A_567 = arith.muli %get3A_564, %mul3A_566 : vector<16xi32>
    %add3A_568 = arith.addi %mul3A_567, %and3A_4 : vector<16xi32>
    %swap3A_569 = arith.constant 5 : i32
    %swap3A_570 = arith.index_cast %swap3A_569 : i32 to index
    %swap3A_571 = arith.constant 48 : index
    %swap3A_572 = tpu.vector_load %arg6[%swap3A_570, %swap3A_571] {strides = array<i32>} : memref<8x128xi32, #tpu.memory_space<vmem>>, vector<1x16xi32>,
    %swap3A_573 = vector.shape_cast %swap3A_572 : vector<1x16xi32> to vector<16xi32>
    %swap3A_574 = vector.shape_cast %add3A_568 : vector<16xi32> to vector<1x16xi32>
    tpu.vector_store %arg6[%swap3A_570, %swap3A_571], %swap3A_574 {strides = array<i32>} : memref<8x128xi32, #tpu.memory_space<vmem>>, vector<1x16xi32>,
    %get3A_575 = arith.constant 704 : index
    %get3A_576 = tpu.vector_load %arg5[%get3A_575] {strides = array<i32>} : memref<1024xi32, #tpu.memory_space<vmem>>, vector<16xi32>,
    %get3A_577 = vector.shape_cast %get3A_576 : vector<16xi32> to vector<16xi32>
    %mul3A_578 = arith.constant 2 : i32
    %mul3A_579 = vector.broadcast %mul3A_578 : i32 to vector<16xi32>
    %mul3A_580 = arith.muli %get3A_577, %mul3A_579 : vector<16xi32>
    %add3A_581 = arith.addi %mul3A_580, %and3A_4 : vector<16xi32>
    %swap3A_582 = arith.constant 5 : i32
    %swap3A_583 = arith.index_cast %swap3A_582 : i32 to index
    %swap3A_584 = arith.constant 64 : index
    %swap3A_585 = tpu.vector_load %arg6[%swap3A_583, %swap3A_584] {strides = array<i32>} : memref<8x128xi32, #tpu.memory_space<vmem>>, vector<1x16xi32>,
    %swap3A_586 = vector.shape_cast %swap3A_585 : vector<1x16xi32> to vector<16xi32>
    %swap3A_587 = vector.shape_cast %add3A_581 : vector<16xi32> to vector<1x16xi32>
    tpu.vector_store %arg6[%swap3A_583, %swap3A_584], %swap3A_587 {strides = array<i32>} : memref<8x128xi32, #tpu.memory_space<vmem>>, vector<1x16xi32>,
    %get3A_588 = arith.constant 720 : index
    %get3A_589 = tpu.vector_load %arg5[%get3A_588] {strides = array<i32>} : memref<1024xi32, #tpu.memory_space<vmem>>, vector<16xi32>,
    %get3A_590 = vector.shape_cast %get3A_589 : vector<16xi32> to vector<16xi32>
    %mul3A_591 = arith.constant 2 : i32
    %mul3A_592 = vector.broadcast %mul3A_591 : i32 to vector<16xi32>
    %mul3A_593 = arith.muli %get3A_590, %mul3A_592 : vector<16xi32>
    %add3A_594 = arith.addi %mul3A_593, %and3A_4 : vector<16xi32>
    %swap3A_595 = arith.constant 5 : i32
    %swap3A_596 = arith.index_cast %swap3A_595 : i32 to index
    %swap3A_597 = arith.constant 80 : index
    %swap3A_598 = tpu.vector_load %arg6[%swap3A_596, %swap3A_597] {strides = array<i32>} : memref<8x128xi32, #tpu.memory_space<vmem>>, vector<1x16xi32>,
    %swap3A_599 = vector.shape_cast %swap3A_598 : vector<1x16xi32> to vector<16xi32>
    %swap3A_600 = vector.shape_cast %add3A_594 : vector<16xi32> to vector<1x16xi32>
    tpu.vector_store %arg6[%swap3A_596, %swap3A_597], %swap3A_600 {strides = array<i32>} : memref<8x128xi32, #tpu.memory_space<vmem>>, vector<1x16xi32>,
    %get3A_601 = arith.constant 736 : index
    %get3A_602 = tpu.vector_load %arg5[%get3A_601] {strides = array<i32>} : memref<1024xi32, #tpu.memory_space<vmem>>, vector<16xi32>,
    %get3A_603 = vector.shape_cast %get3A_602 : vector<16xi32> to vector<16xi32>
    %mul3A_604 = arith.constant 2 : i32
    %mul3A_605 = vector.broadcast %mul3A_604 : i32 to vector<16xi32>
    %mul3A_606 = arith.muli %get3A_603, %mul3A_605 : vector<16xi32>
    %add3A_607 = arith.addi %mul3A_606, %and3A_4 : vector<16xi32>
    %swap3A_608 = arith.constant 5 : i32
    %swap3A_609 = arith.index_cast %swap3A_608 : i32 to index
    %swap3A_610 = arith.constant 96 : index
    %swap3A_611 = tpu.vector_load %arg6[%swap3A_609, %swap3A_610] {strides = array<i32>} : memref<8x128xi32, #tpu.memory_space<vmem>>, vector<1x16xi32>,
    %swap3A_612 = vector.shape_cast %swap3A_611 : vector<1x16xi32> to vector<16xi32>
    %swap3A_613 = vector.shape_cast %add3A_607 : vector<16xi32> to vector<1x16xi32>
    tpu.vector_store %arg6[%swap3A_609, %swap3A_610], %swap3A_613 {strides = array<i32>} : memref<8x128xi32, #tpu.memory_space<vmem>>, vector<1x16xi32>,
    %get3A_614 = arith.constant 752 : index
    %get3A_615 = tpu.vector_load %arg5[%get3A_614] {strides = array<i32>} : memref<1024xi32, #tpu.memory_space<vmem>>, vector<16xi32>,
    %get3A_616 = vector.shape_cast %get3A_615 : vector<16xi32> to vector<16xi32>
    %mul3A_617 = arith.constant 2 : i32
    %mul3A_618 = vector.broadcast %mul3A_617 : i32 to vector<16xi32>
    %mul3A_619 = arith.muli %get3A_616, %mul3A_618 : vector<16xi32>
    %add3A_620 = arith.addi %mul3A_619, %and3A_4 : vector<16xi32>
    %swap3A_621 = arith.constant 5 : i32
    %swap3A_622 = arith.index_cast %swap3A_621 : i32 to index
    %swap3A_623 = arith.constant 112 : index
    %swap3A_624 = tpu.vector_load %arg6[%swap3A_622, %swap3A_623] {strides = array<i32>} : memref<8x128xi32, #tpu.memory_space<vmem>>, vector<1x16xi32>,
    %swap3A_625 = vector.shape_cast %swap3A_624 : vector<1x16xi32> to vector<16xi32>
    %swap3A_626 = vector.shape_cast %add3A_620 : vector<16xi32> to vector<1x16xi32>
    tpu.vector_store %arg6[%swap3A_622, %swap3A_623], %swap3A_626 {strides = array<i32>} : memref<8x128xi32, #tpu.memory_space<vmem>>, vector<1x16xi32>,
    %get3A_627 = arith.constant 768 : index
    %get3A_628 = tpu.vector_load %arg5[%get3A_627] {strides = array<i32>} : memref<1024xi32, #tpu.memory_space<vmem>>, vector<16xi32>,
    %get3A_629 = vector.shape_cast %get3A_628 : vector<16xi32> to vector<16xi32>
    %mul3A_630 = arith.constant 2 : i32
    %mul3A_631 = vector.broadcast %mul3A_630 : i32 to vector<16xi32>
    %mul3A_632 = arith.muli %get3A_629, %mul3A_631 : vector<16xi32>
    %add3A_633 = arith.addi %mul3A_632, %and3A_4 : vector<16xi32>
    %swap3A_634 = arith.constant 6 : i32
    %swap3A_635 = arith.index_cast %swap3A_634 : i32 to index
    %swap3A_636 = arith.constant 0 : index
    %swap3A_637 = tpu.vector_load %arg6[%swap3A_635, %swap3A_636] {strides = array<i32>} : memref<8x128xi32, #tpu.memory_space<vmem>>, vector<1x16xi32>,
    %swap3A_638 = vector.shape_cast %swap3A_637 : vector<1x16xi32> to vector<16xi32>
    %swap3A_639 = vector.shape_cast %add3A_633 : vector<16xi32> to vector<1x16xi32>
    tpu.vector_store %arg6[%swap3A_635, %swap3A_636], %swap3A_639 {strides = array<i32>} : memref<8x128xi32, #tpu.memory_space<vmem>>, vector<1x16xi32>,
    %get3A_640 = arith.constant 784 : index
    %get3A_641 = tpu.vector_load %arg5[%get3A_640] {strides = array<i32>} : memref<1024xi32, #tpu.memory_space<vmem>>, vector<16xi32>,
    %get3A_642 = vector.shape_cast %get3A_641 : vector<16xi32> to vector<16xi32>
    %mul3A_643 = arith.constant 2 : i32
    %mul3A_644 = vector.broadcast %mul3A_643 : i32 to vector<16xi32>
    %mul3A_645 = arith.muli %get3A_642, %mul3A_644 : vector<16xi32>
    %add3A_646 = arith.addi %mul3A_645, %and3A_4 : vector<16xi32>
    %swap3A_647 = arith.constant 6 : i32
    %swap3A_648 = arith.index_cast %swap3A_647 : i32 to index
    %swap3A_649 = arith.constant 16 : index
    %swap3A_650 = tpu.vector_load %arg6[%swap3A_648, %swap3A_649] {strides = array<i32>} : memref<8x128xi32, #tpu.memory_space<vmem>>, vector<1x16xi32>,
    %swap3A_651 = vector.shape_cast %swap3A_650 : vector<1x16xi32> to vector<16xi32>
    %swap3A_652 = vector.shape_cast %add3A_646 : vector<16xi32> to vector<1x16xi32>
    tpu.vector_store %arg6[%swap3A_648, %swap3A_649], %swap3A_652 {strides = array<i32>} : memref<8x128xi32, #tpu.memory_space<vmem>>, vector<1x16xi32>,
    %get3A_653 = arith.constant 800 : index
    %get3A_654 = tpu.vector_load %arg5[%get3A_653] {strides = array<i32>} : memref<1024xi32, #tpu.memory_space<vmem>>, vector<16xi32>,
    %get3A_655 = vector.shape_cast %get3A_654 : vector<16xi32> to vector<16xi32>
    %mul3A_656 = arith.constant 2 : i32
    %mul3A_657 = vector.broadcast %mul3A_656 : i32 to vector<16xi32>
    %mul3A_658 = arith.muli %get3A_655, %mul3A_657 : vector<16xi32>
    %add3A_659 = arith.addi %mul3A_658, %and3A_4 : vector<16xi32>
    %swap3A_660 = arith.constant 6 : i32
    %swap3A_661 = arith.index_cast %swap3A_660 : i32 to index
    %swap3A_662 = arith.constant 32 : index
    %swap3A_663 = tpu.vector_load %arg6[%swap3A_661, %swap3A_662] {strides = array<i32>} : memref<8x128xi32, #tpu.memory_space<vmem>>, vector<1x16xi32>,
    %swap3A_664 = vector.shape_cast %swap3A_663 : vector<1x16xi32> to vector<16xi32>
    %swap3A_665 = vector.shape_cast %add3A_659 : vector<16xi32> to vector<1x16xi32>
    tpu.vector_store %arg6[%swap3A_661, %swap3A_662], %swap3A_665 {strides = array<i32>} : memref<8x128xi32, #tpu.memory_space<vmem>>, vector<1x16xi32>,
    %get3A_666 = arith.constant 816 : index
    %get3A_667 = tpu.vector_load %arg5[%get3A_666] {strides = array<i32>} : memref<1024xi32, #tpu.memory_space<vmem>>, vector<16xi32>,
    %get3A_668 = vector.shape_cast %get3A_667 : vector<16xi32> to vector<16xi32>
    %mul3A_669 = arith.constant 2 : i32
    %mul3A_670 = vector.broadcast %mul3A_669 : i32 to vector<16xi32>
    %mul3A_671 = arith.muli %get3A_668, %mul3A_670 : vector<16xi32>
    %add3A_672 = arith.addi %mul3A_671, %and3A_4 : vector<16xi32>
    %swap3A_673 = arith.constant 6 : i32
    %swap3A_674 = arith.index_cast %swap3A_673 : i32 to index
    %swap3A_675 = arith.constant 48 : index
    %swap3A_676 = tpu.vector_load %arg6[%swap3A_674, %swap3A_675] {strides = array<i32>} : memref<8x128xi32, #tpu.memory_space<vmem>>, vector<1x16xi32>,
    %swap3A_677 = vector.shape_cast %swap3A_676 : vector<1x16xi32> to vector<16xi32>
    %swap3A_678 = vector.shape_cast %add3A_672 : vector<16xi32> to vector<1x16xi32>
    tpu.vector_store %arg6[%swap3A_674, %swap3A_675], %swap3A_678 {strides = array<i32>} : memref<8x128xi32, #tpu.memory_space<vmem>>, vector<1x16xi32>,
    %get3A_679 = arith.constant 832 : index
    %get3A_680 = tpu.vector_load %arg5[%get3A_679] {strides = array<i32>} : memref<1024xi32, #tpu.memory_space<vmem>>, vector<16xi32>,
    %get3A_681 = vector.shape_cast %get3A_680 : vector<16xi32> to vector<16xi32>
    %mul3A_682 = arith.constant 2 : i32
    %mul3A_683 = vector.broadcast %mul3A_682 : i32 to vector<16xi32>
    %mul3A_684 = arith.muli %get3A_681, %mul3A_683 : vector<16xi32>
    %add3A_685 = arith.addi %mul3A_684, %and3A_4 : vector<16xi32>
    %swap3A_686 = arith.constant 6 : i32
    %swap3A_687 = arith.index_cast %swap3A_686 : i32 to index
    %swap3A_688 = arith.constant 64 : index
    %swap3A_689 = tpu.vector_load %arg6[%swap3A_687, %swap3A_688] {strides = array<i32>} : memref<8x128xi32, #tpu.memory_space<vmem>>, vector<1x16xi32>,
    %swap3A_690 = vector.shape_cast %swap3A_689 : vector<1x16xi32> to vector<16xi32>
    %swap3A_691 = vector.shape_cast %add3A_685 : vector<16xi32> to vector<1x16xi32>
    tpu.vector_store %arg6[%swap3A_687, %swap3A_688], %swap3A_691 {strides = array<i32>} : memref<8x128xi32, #tpu.memory_space<vmem>>, vector<1x16xi32>,
    %get3A_692 = arith.constant 848 : index
    %get3A_693 = tpu.vector_load %arg5[%get3A_692] {strides = array<i32>} : memref<1024xi32, #tpu.memory_space<vmem>>, vector<16xi32>,
    %get3A_694 = vector.shape_cast %get3A_693 : vector<16xi32> to vector<16xi32>
    %mul3A_695 = arith.constant 2 : i32
    %mul3A_696 = vector.broadcast %mul3A_695 : i32 to vector<16xi32>
    %mul3A_697 = arith.muli %get3A_694, %mul3A_696 : vector<16xi32>
    %add3A_698 = arith.addi %mul3A_697, %and3A_4 : vector<16xi32>
    %swap3A_699 = arith.constant 6 : i32
    %swap3A_700 = arith.index_cast %swap3A_699 : i32 to index
    %swap3A_701 = arith.constant 80 : index
    %swap3A_702 = tpu.vector_load %arg6[%swap3A_700, %swap3A_701] {strides = array<i32>} : memref<8x128xi32, #tpu.memory_space<vmem>>, vector<1x16xi32>,
    %swap3A_703 = vector.shape_cast %swap3A_702 : vector<1x16xi32> to vector<16xi32>
    %swap3A_704 = vector.shape_cast %add3A_698 : vector<16xi32> to vector<1x16xi32>
    tpu.vector_store %arg6[%swap3A_700, %swap3A_701], %swap3A_704 {strides = array<i32>} : memref<8x128xi32, #tpu.memory_space<vmem>>, vector<1x16xi32>,
    %get3A_705 = arith.constant 864 : index
    %get3A_706 = tpu.vector_load %arg5[%get3A_705] {strides = array<i32>} : memref<1024xi32, #tpu.memory_space<vmem>>, vector<16xi32>,
    %get3A_707 = vector.shape_cast %get3A_706 : vector<16xi32> to vector<16xi32>
    %mul3A_708 = arith.constant 2 : i32
    %mul3A_709 = vector.broadcast %mul3A_708 : i32 to vector<16xi32>
    %mul3A_710 = arith.muli %get3A_707, %mul3A_709 : vector<16xi32>
    %add3A_711 = arith.addi %mul3A_710, %and3A_4 : vector<16xi32>
    %swap3A_712 = arith.constant 6 : i32
    %swap3A_713 = arith.index_cast %swap3A_712 : i32 to index
    %swap3A_714 = arith.constant 96 : index
    %swap3A_715 = tpu.vector_load %arg6[%swap3A_713, %swap3A_714] {strides = array<i32>} : memref<8x128xi32, #tpu.memory_space<vmem>>, vector<1x16xi32>,
    %swap3A_716 = vector.shape_cast %swap3A_715 : vector<1x16xi32> to vector<16xi32>
    %swap3A_717 = vector.shape_cast %add3A_711 : vector<16xi32> to vector<1x16xi32>
    tpu.vector_store %arg6[%swap3A_713, %swap3A_714], %swap3A_717 {strides = array<i32>} : memref<8x128xi32, #tpu.memory_space<vmem>>, vector<1x16xi32>,
    %get3A_718 = arith.constant 880 : index
    %get3A_719 = tpu.vector_load %arg5[%get3A_718] {strides = array<i32>} : memref<1024xi32, #tpu.memory_space<vmem>>, vector<16xi32>,
    %get3A_720 = vector.shape_cast %get3A_719 : vector<16xi32> to vector<16xi32>
    %mul3A_721 = arith.constant 2 : i32
    %mul3A_722 = vector.broadcast %mul3A_721 : i32 to vector<16xi32>
    %mul3A_723 = arith.muli %get3A_720, %mul3A_722 : vector<16xi32>
    %add3A_724 = arith.addi %mul3A_723, %and3A_4 : vector<16xi32>
    %swap3A_725 = arith.constant 6 : i32
    %swap3A_726 = arith.index_cast %swap3A_725 : i32 to index
    %swap3A_727 = arith.constant 112 : index
    %swap3A_728 = tpu.vector_load %arg6[%swap3A_726, %swap3A_727] {strides = array<i32>} : memref<8x128xi32, #tpu.memory_space<vmem>>, vector<1x16xi32>,
    %swap3A_729 = vector.shape_cast %swap3A_728 : vector<1x16xi32> to vector<16xi32>
    %swap3A_730 = vector.shape_cast %add3A_724 : vector<16xi32> to vector<1x16xi32>
    tpu.vector_store %arg6[%swap3A_726, %swap3A_727], %swap3A_730 {strides = array<i32>} : memref<8x128xi32, #tpu.memory_space<vmem>>, vector<1x16xi32>,
    %get3A_731 = arith.constant 896 : index
    %get3A_732 = tpu.vector_load %arg5[%get3A_731] {strides = array<i32>} : memref<1024xi32, #tpu.memory_space<vmem>>, vector<16xi32>,
    %get3A_733 = vector.shape_cast %get3A_732 : vector<16xi32> to vector<16xi32>
    %mul3A_734 = arith.constant 2 : i32
    %mul3A_735 = vector.broadcast %mul3A_734 : i32 to vector<16xi32>
    %mul3A_736 = arith.muli %get3A_733, %mul3A_735 : vector<16xi32>
    %add3A_737 = arith.addi %mul3A_736, %and3A_4 : vector<16xi32>
    %swap3A_738 = arith.constant 7 : i32
    %swap3A_739 = arith.index_cast %swap3A_738 : i32 to index
    %swap3A_740 = arith.constant 0 : index
    %swap3A_741 = tpu.vector_load %arg6[%swap3A_739, %swap3A_740] {strides = array<i32>} : memref<8x128xi32, #tpu.memory_space<vmem>>, vector<1x16xi32>,
    %swap3A_742 = vector.shape_cast %swap3A_741 : vector<1x16xi32> to vector<16xi32>
    %swap3A_743 = vector.shape_cast %add3A_737 : vector<16xi32> to vector<1x16xi32>
    tpu.vector_store %arg6[%swap3A_739, %swap3A_740], %swap3A_743 {strides = array<i32>} : memref<8x128xi32, #tpu.memory_space<vmem>>, vector<1x16xi32>,
    %get3A_744 = arith.constant 912 : index
    %get3A_745 = tpu.vector_load %arg5[%get3A_744] {strides = array<i32>} : memref<1024xi32, #tpu.memory_space<vmem>>, vector<16xi32>,
    %get3A_746 = vector.shape_cast %get3A_745 : vector<16xi32> to vector<16xi32>
    %mul3A_747 = arith.constant 2 : i32
    %mul3A_748 = vector.broadcast %mul3A_747 : i32 to vector<16xi32>
    %mul3A_749 = arith.muli %get3A_746, %mul3A_748 : vector<16xi32>
    %add3A_750 = arith.addi %mul3A_749, %and3A_4 : vector<16xi32>
    %swap3A_751 = arith.constant 7 : i32
    %swap3A_752 = arith.index_cast %swap3A_751 : i32 to index
    %swap3A_753 = arith.constant 16 : index
    %swap3A_754 = tpu.vector_load %arg6[%swap3A_752, %swap3A_753] {strides = array<i32>} : memref<8x128xi32, #tpu.memory_space<vmem>>, vector<1x16xi32>,
    %swap3A_755 = vector.shape_cast %swap3A_754 : vector<1x16xi32> to vector<16xi32>
    %swap3A_756 = vector.shape_cast %add3A_750 : vector<16xi32> to vector<1x16xi32>
    tpu.vector_store %arg6[%swap3A_752, %swap3A_753], %swap3A_756 {strides = array<i32>} : memref<8x128xi32, #tpu.memory_space<vmem>>, vector<1x16xi32>,
    %get3A_757 = arith.constant 928 : index
    %get3A_758 = tpu.vector_load %arg5[%get3A_757] {strides = array<i32>} : memref<1024xi32, #tpu.memory_space<vmem>>, vector<16xi32>,
    %get3A_759 = vector.shape_cast %get3A_758 : vector<16xi32> to vector<16xi32>
    %mul3A_760 = arith.constant 2 : i32
    %mul3A_761 = vector.broadcast %mul3A_760 : i32 to vector<16xi32>
    %mul3A_762 = arith.muli %get3A_759, %mul3A_761 : vector<16xi32>
    %add3A_763 = arith.addi %mul3A_762, %and3A_4 : vector<16xi32>
    %swap3A_764 = arith.constant 7 : i32
    %swap3A_765 = arith.index_cast %swap3A_764 : i32 to index
    %swap3A_766 = arith.constant 32 : index
    %swap3A_767 = tpu.vector_load %arg6[%swap3A_765, %swap3A_766] {strides = array<i32>} : memref<8x128xi32, #tpu.memory_space<vmem>>, vector<1x16xi32>,
    %swap3A_768 = vector.shape_cast %swap3A_767 : vector<1x16xi32> to vector<16xi32>
    %swap3A_769 = vector.shape_cast %add3A_763 : vector<16xi32> to vector<1x16xi32>
    tpu.vector_store %arg6[%swap3A_765, %swap3A_766], %swap3A_769 {strides = array<i32>} : memref<8x128xi32, #tpu.memory_space<vmem>>, vector<1x16xi32>,
    %get3A_770 = arith.constant 944 : index
    %get3A_771 = tpu.vector_load %arg5[%get3A_770] {strides = array<i32>} : memref<1024xi32, #tpu.memory_space<vmem>>, vector<16xi32>,
    %get3A_772 = vector.shape_cast %get3A_771 : vector<16xi32> to vector<16xi32>
    %mul3A_773 = arith.constant 2 : i32
    %mul3A_774 = vector.broadcast %mul3A_773 : i32 to vector<16xi32>
    %mul3A_775 = arith.muli %get3A_772, %mul3A_774 : vector<16xi32>
    %add3A_776 = arith.addi %mul3A_775, %and3A_4 : vector<16xi32>
    %swap3A_777 = arith.constant 7 : i32
    %swap3A_778 = arith.index_cast %swap3A_777 : i32 to index
    %swap3A_779 = arith.constant 48 : index
    %swap3A_780 = tpu.vector_load %arg6[%swap3A_778, %swap3A_779] {strides = array<i32>} : memref<8x128xi32, #tpu.memory_space<vmem>>, vector<1x16xi32>,
    %swap3A_781 = vector.shape_cast %swap3A_780 : vector<1x16xi32> to vector<16xi32>
    %swap3A_782 = vector.shape_cast %add3A_776 : vector<16xi32> to vector<1x16xi32>
    tpu.vector_store %arg6[%swap3A_778, %swap3A_779], %swap3A_782 {strides = array<i32>} : memref<8x128xi32, #tpu.memory_space<vmem>>, vector<1x16xi32>,
    %get3A_783 = arith.constant 960 : index
    %get3A_784 = tpu.vector_load %arg5[%get3A_783] {strides = array<i32>} : memref<1024xi32, #tpu.memory_space<vmem>>, vector<16xi32>,
    %get3A_785 = vector.shape_cast %get3A_784 : vector<16xi32> to vector<16xi32>
    %mul3A_786 = arith.constant 2 : i32
    %mul3A_787 = vector.broadcast %mul3A_786 : i32 to vector<16xi32>
    %mul3A_788 = arith.muli %get3A_785, %mul3A_787 : vector<16xi32>
    %add3A_789 = arith.addi %mul3A_788, %and3A_4 : vector<16xi32>
    %swap3A_790 = arith.constant 7 : i32
    %swap3A_791 = arith.index_cast %swap3A_790 : i32 to index
    %swap3A_792 = arith.constant 64 : index
    %swap3A_793 = tpu.vector_load %arg6[%swap3A_791, %swap3A_792] {strides = array<i32>} : memref<8x128xi32, #tpu.memory_space<vmem>>, vector<1x16xi32>,
    %swap3A_794 = vector.shape_cast %swap3A_793 : vector<1x16xi32> to vector<16xi32>
    %swap3A_795 = vector.shape_cast %add3A_789 : vector<16xi32> to vector<1x16xi32>
    tpu.vector_store %arg6[%swap3A_791, %swap3A_792], %swap3A_795 {strides = array<i32>} : memref<8x128xi32, #tpu.memory_space<vmem>>, vector<1x16xi32>,
    %get3A_796 = arith.constant 976 : index
    %get3A_797 = tpu.vector_load %arg5[%get3A_796] {strides = array<i32>} : memref<1024xi32, #tpu.memory_space<vmem>>, vector<16xi32>,
    %get3A_798 = vector.shape_cast %get3A_797 : vector<16xi32> to vector<16xi32>
    %mul3A_799 = arith.constant 2 : i32
    %mul3A_800 = vector.broadcast %mul3A_799 : i32 to vector<16xi32>
    %mul3A_801 = arith.muli %get3A_798, %mul3A_800 : vector<16xi32>
    %add3A_802 = arith.addi %mul3A_801, %and3A_4 : vector<16xi32>
    %swap3A_803 = arith.constant 7 : i32
    %swap3A_804 = arith.index_cast %swap3A_803 : i32 to index
    %swap3A_805 = arith.constant 80 : index
    %swap3A_806 = tpu.vector_load %arg6[%swap3A_804, %swap3A_805] {strides = array<i32>} : memref<8x128xi32, #tpu.memory_space<vmem>>, vector<1x16xi32>,
    %swap3A_807 = vector.shape_cast %swap3A_806 : vector<1x16xi32> to vector<16xi32>
    %swap3A_808 = vector.shape_cast %add3A_802 : vector<16xi32> to vector<1x16xi32>
    tpu.vector_store %arg6[%swap3A_804, %swap3A_805], %swap3A_808 {strides = array<i32>} : memref<8x128xi32, #tpu.memory_space<vmem>>, vector<1x16xi32>,
    %get3A_809 = arith.constant 992 : index
    %get3A_810 = tpu.vector_load %arg5[%get3A_809] {strides = array<i32>} : memref<1024xi32, #tpu.memory_space<vmem>>, vector<16xi32>,
    %get3A_811 = vector.shape_cast %get3A_810 : vector<16xi32> to vector<16xi32>
    %mul3A_812 = arith.constant 2 : i32
    %mul3A_813 = vector.broadcast %mul3A_812 : i32 to vector<16xi32>
    %mul3A_814 = arith.muli %get3A_811, %mul3A_813 : vector<16xi32>
    %add3A_815 = arith.addi %mul3A_814, %and3A_4 : vector<16xi32>
    %swap3A_816 = arith.constant 7 : i32
    %swap3A_817 = arith.index_cast %swap3A_816 : i32 to index
    %swap3A_818 = arith.constant 96 : index
    %swap3A_819 = tpu.vector_load %arg6[%swap3A_817, %swap3A_818] {strides = array<i32>} : memref<8x128xi32, #tpu.memory_space<vmem>>, vector<1x16xi32>,
    %swap3A_820 = vector.shape_cast %swap3A_819 : vector<1x16xi32> to vector<16xi32>
    %swap3A_821 = vector.shape_cast %add3A_815 : vector<16xi32> to vector<1x16xi32>
    tpu.vector_store %arg6[%swap3A_817, %swap3A_818], %swap3A_821 {strides = array<i32>} : memref<8x128xi32, #tpu.memory_space<vmem>>, vector<1x16xi32>,
    %get3A_822 = arith.constant 1008 : index
    %get3A_823 = tpu.vector_load %arg5[%get3A_822] {strides = array<i32>} : memref<1024xi32, #tpu.memory_space<vmem>>, vector<16xi32>,
    %get3A_824 = vector.shape_cast %get3A_823 : vector<16xi32> to vector<16xi32>
    %mul3A_825 = arith.constant 2 : i32
    %mul3A_826 = vector.broadcast %mul3A_825 : i32 to vector<16xi32>
    %mul3A_827 = arith.muli %get3A_824, %mul3A_826 : vector<16xi32>
    %add3A_828 = arith.addi %mul3A_827, %and3A_4 : vector<16xi32>
    %swap3A_829 = arith.constant 7 : i32
    %swap3A_830 = arith.index_cast %swap3A_829 : i32 to index
    %swap3A_831 = arith.constant 112 : index
    %swap3A_832 = tpu.vector_load %arg6[%swap3A_830, %swap3A_831] {strides = array<i32>} : memref<8x128xi32, #tpu.memory_space<vmem>>, vector<1x16xi32>,
    %swap3A_833 = vector.shape_cast %swap3A_832 : vector<1x16xi32> to vector<16xi32>
    %swap3A_834 = vector.shape_cast %add3A_828 : vector<16xi32> to vector<1x16xi32>
    tpu.vector_store %arg6[%swap3A_830, %swap3A_831], %swap3A_834 {strides = array<i32>} : memref<8x128xi32, #tpu.memory_space<vmem>>, vector<1x16xi32>,
    %dma_start3A = arith.constant 0 : i32
    %dma_start3A_835 = arith.constant 0 : i32
    %dma_start3A_836 = arith.constant 0 : i32
    %dma_start3A_837 = tpu.memref_slice %arg7[%dma_start3A_835, %dma_start3A_836] : memref<1024x64xf32, #tpu.memory_space<vmem>> -> memref<128x64xf32, #tpu.memory_space<vmem>>
    %dma_start3A_838 = arith.constant 0 : i32
    %dma_start3A_839 = tpu.memref_slice %arg6[%dma_start3A, %dma_start3A_838] : memref<8x128xi32, #tpu.memory_space<vmem>> -> memref<1x128xi32, #tpu.memory_space<vmem>>
    %dma_start3A_840 = tpu.memref_squeeze %dma_start3A_839 : memref<1x128xi32, #tpu.memory_space<vmem>> -> memref<128xi32, #tpu.memory_space<vmem>>
    %dma_start3A_841 = arith.constant 0 : i32
    %dma_start3A_842 = arith.constant 0 : i32
    %dma_start3A_843 = tpu.memref_slice %arg3[%dma_start3A_841, %dma_start3A_842] : memref<2000x64xf32, #tpu.memory_space<hbm>> -> memref<2000x64xf32, #tpu.memory_space<hbm>>
    tpu.enqueue_indirect_dma source(%dma_start3A_843 : memref<2000x64xf32, #tpu.memory_space<hbm>>) target(%dma_start3A_837 : memref<128x64xf32, #tpu.memory_space<vmem>>) offsets(%dma_start3A_840 : memref<128xi32, #tpu.memory_space<vmem>>) semaphore(%arg8 : memref<!tpu.dma_semaphore, #tpu.memory_space<semaphore_mem>>)
    %dma_start3A_844 = arith.constant 1 : i32
    %dma_start3A_845 = arith.constant 128 : i32
    %dma_start3A_846 = arith.constant 0 : i32
    %dma_start3A_847 = tpu.memref_slice %arg7[%dma_start3A_845, %dma_start3A_846] : memref<1024x64xf32, #tpu.memory_space<vmem>> -> memref<128x64xf32, #tpu.memory_space<vmem>>
    %dma_start3A_848 = arith.constant 0 : i32
    %dma_start3A_849 = tpu.memref_slice %arg6[%dma_start3A_844, %dma_start3A_848] : memref<8x128xi32, #tpu.memory_space<vmem>> -> memref<1x128xi32, #tpu.memory_space<vmem>>
    %dma_start3A_850 = tpu.memref_squeeze %dma_start3A_849 : memref<1x128xi32, #tpu.memory_space<vmem>> -> memref<128xi32, #tpu.memory_space<vmem>>
    %dma_start3A_851 = arith.constant 0 : i32
    %dma_start3A_852 = arith.constant 0 : i32
    %dma_start3A_853 = tpu.memref_slice %arg3[%dma_start3A_851, %dma_start3A_852] : memref<2000x64xf32, #tpu.memory_space<hbm>> -> memref<2000x64xf32, #tpu.memory_space<hbm>>
    tpu.enqueue_indirect_dma source(%dma_start3A_853 : memref<2000x64xf32, #tpu.memory_space<hbm>>) target(%dma_start3A_847 : memref<128x64xf32, #tpu.memory_space<vmem>>) offsets(%dma_start3A_850 : memref<128xi32, #tpu.memory_space<vmem>>) semaphore(%arg8 : memref<!tpu.dma_semaphore, #tpu.memory_space<semaphore_mem>>)
    %dma_start3A_854 = arith.constant 2 : i32
    %dma_start3A_855 = arith.constant 256 : i32
    %dma_start3A_856 = arith.constant 0 : i32
    %dma_start3A_857 = tpu.memref_slice %arg7[%dma_start3A_855, %dma_start3A_856] : memref<1024x64xf32, #tpu.memory_space<vmem>> -> memref<128x64xf32, #tpu.memory_space<vmem>>
    %dma_start3A_858 = arith.constant 0 : i32
    %dma_start3A_859 = tpu.memref_slice %arg6[%dma_start3A_854, %dma_start3A_858] : memref<8x128xi32, #tpu.memory_space<vmem>> -> memref<1x128xi32, #tpu.memory_space<vmem>>
    %dma_start3A_860 = tpu.memref_squeeze %dma_start3A_859 : memref<1x128xi32, #tpu.memory_space<vmem>> -> memref<128xi32, #tpu.memory_space<vmem>>
    %dma_start3A_861 = arith.constant 0 : i32
    %dma_start3A_862 = arith.constant 0 : i32
    %dma_start3A_863 = tpu.memref_slice %arg3[%dma_start3A_861, %dma_start3A_862] : memref<2000x64xf32, #tpu.memory_space<hbm>> -> memref<2000x64xf32, #tpu.memory_space<hbm>>
    tpu.enqueue_indirect_dma source(%dma_start3A_863 : memref<2000x64xf32, #tpu.memory_space<hbm>>) target(%dma_start3A_857 : memref<128x64xf32, #tpu.memory_space<vmem>>) offsets(%dma_start3A_860 : memref<128xi32, #tpu.memory_space<vmem>>) semaphore(%arg8 : memref<!tpu.dma_semaphore, #tpu.memory_space<semaphore_mem>>)
    %dma_start3A_864 = arith.constant 3 : i32
    %dma_start3A_865 = arith.constant 384 : i32
    %dma_start3A_866 = arith.constant 0 : i32
    %dma_start3A_867 = tpu.memref_slice %arg7[%dma_start3A_865, %dma_start3A_866] : memref<1024x64xf32, #tpu.memory_space<vmem>> -> memref<128x64xf32, #tpu.memory_space<vmem>>
    %dma_start3A_868 = arith.constant 0 : i32
    %dma_start3A_869 = tpu.memref_slice %arg6[%dma_start3A_864, %dma_start3A_868] : memref<8x128xi32, #tpu.memory_space<vmem>> -> memref<1x128xi32, #tpu.memory_space<vmem>>
    %dma_start3A_870 = tpu.memref_squeeze %dma_start3A_869 : memref<1x128xi32, #tpu.memory_space<vmem>> -> memref<128xi32, #tpu.memory_space<vmem>>
    %dma_start3A_871 = arith.constant 0 : i32
    %dma_start3A_872 = arith.constant 0 : i32
    %dma_start3A_873 = tpu.memref_slice %arg3[%dma_start3A_871, %dma_start3A_872] : memref<2000x64xf32, #tpu.memory_space<hbm>> -> memref<2000x64xf32, #tpu.memory_space<hbm>>
    tpu.enqueue_indirect_dma source(%dma_start3A_873 : memref<2000x64xf32, #tpu.memory_space<hbm>>) target(%dma_start3A_867 : memref<128x64xf32, #tpu.memory_space<vmem>>) offsets(%dma_start3A_870 : memref<128xi32, #tpu.memory_space<vmem>>) semaphore(%arg8 : memref<!tpu.dma_semaphore, #tpu.memory_space<semaphore_mem>>)
    %dma_start3A_874 = arith.constant 4 : i32
    %dma_start3A_875 = arith.constant 512 : i32
    %dma_start3A_876 = arith.constant 0 : i32
    %dma_start3A_877 = tpu.memref_slice %arg7[%dma_start3A_875, %dma_start3A_876] : memref<1024x64xf32, #tpu.memory_space<vmem>> -> memref<128x64xf32, #tpu.memory_space<vmem>>
    %dma_start3A_878 = arith.constant 0 : i32
    %dma_start3A_879 = tpu.memref_slice %arg6[%dma_start3A_874, %dma_start3A_878] : memref<8x128xi32, #tpu.memory_space<vmem>> -> memref<1x128xi32, #tpu.memory_space<vmem>>
    %dma_start3A_880 = tpu.memref_squeeze %dma_start3A_879 : memref<1x128xi32, #tpu.memory_space<vmem>> -> memref<128xi32, #tpu.memory_space<vmem>>
    %dma_start3A_881 = arith.constant 0 : i32
    %dma_start3A_882 = arith.constant 0 : i32
    %dma_start3A_883 = tpu.memref_slice %arg3[%dma_start3A_881, %dma_start3A_882] : memref<2000x64xf32, #tpu.memory_space<hbm>> -> memref<2000x64xf32, #tpu.memory_space<hbm>>
    tpu.enqueue_indirect_dma source(%dma_start3A_883 : memref<2000x64xf32, #tpu.memory_space<hbm>>) target(%dma_start3A_877 : memref<128x64xf32, #tpu.memory_space<vmem>>) offsets(%dma_start3A_880 : memref<128xi32, #tpu.memory_space<vmem>>) semaphore(%arg8 : memref<!tpu.dma_semaphore, #tpu.memory_space<semaphore_mem>>)
    %dma_start3A_884 = arith.constant 5 : i32
    %dma_start3A_885 = arith.constant 640 : i32
    %dma_start3A_886 = arith.constant 0 : i32
    %dma_start3A_887 = tpu.memref_slice %arg7[%dma_start3A_885, %dma_start3A_886] : memref<1024x64xf32, #tpu.memory_space<vmem>> -> memref<128x64xf32, #tpu.memory_space<vmem>>
    %dma_start3A_888 = arith.constant 0 : i32
    %dma_start3A_889 = tpu.memref_slice %arg6[%dma_start3A_884, %dma_start3A_888] : memref<8x128xi32, #tpu.memory_space<vmem>> -> memref<1x128xi32, #tpu.memory_space<vmem>>
    %dma_start3A_890 = tpu.memref_squeeze %dma_start3A_889 : memref<1x128xi32, #tpu.memory_space<vmem>> -> memref<128xi32, #tpu.memory_space<vmem>>
    %dma_start3A_891 = arith.constant 0 : i32
    %dma_start3A_892 = arith.constant 0 : i32
    %dma_start3A_893 = tpu.memref_slice %arg3[%dma_start3A_891, %dma_start3A_892] : memref<2000x64xf32, #tpu.memory_space<hbm>> -> memref<2000x64xf32, #tpu.memory_space<hbm>>
    tpu.enqueue_indirect_dma source(%dma_start3A_893 : memref<2000x64xf32, #tpu.memory_space<hbm>>) target(%dma_start3A_887 : memref<128x64xf32, #tpu.memory_space<vmem>>) offsets(%dma_start3A_890 : memref<128xi32, #tpu.memory_space<vmem>>) semaphore(%arg8 : memref<!tpu.dma_semaphore, #tpu.memory_space<semaphore_mem>>)
    %dma_start3A_894 = arith.constant 6 : i32
    %dma_start3A_895 = arith.constant 768 : i32
    %dma_start3A_896 = arith.constant 0 : i32
    %dma_start3A_897 = tpu.memref_slice %arg7[%dma_start3A_895, %dma_start3A_896] : memref<1024x64xf32, #tpu.memory_space<vmem>> -> memref<128x64xf32, #tpu.memory_space<vmem>>
    %dma_start3A_898 = arith.constant 0 : i32
    %dma_start3A_899 = tpu.memref_slice %arg6[%dma_start3A_894, %dma_start3A_898] : memref<8x128xi32, #tpu.memory_space<vmem>> -> memref<1x128xi32, #tpu.memory_space<vmem>>
    %dma_start3A_900 = tpu.memref_squeeze %dma_start3A_899 : memref<1x128xi32, #tpu.memory_space<vmem>> -> memref<128xi32, #tpu.memory_space<vmem>>
    %dma_start3A_901 = arith.constant 0 : i32
    %dma_start3A_902 = arith.constant 0 : i32
    %dma_start3A_903 = tpu.memref_slice %arg3[%dma_start3A_901, %dma_start3A_902] : memref<2000x64xf32, #tpu.memory_space<hbm>> -> memref<2000x64xf32, #tpu.memory_space<hbm>>
    tpu.enqueue_indirect_dma source(%dma_start3A_903 : memref<2000x64xf32, #tpu.memory_space<hbm>>) target(%dma_start3A_897 : memref<128x64xf32, #tpu.memory_space<vmem>>) offsets(%dma_start3A_900 : memref<128xi32, #tpu.memory_space<vmem>>) semaphore(%arg8 : memref<!tpu.dma_semaphore, #tpu.memory_space<semaphore_mem>>)
    %dma_start3A_904 = arith.constant 7 : i32
    %dma_start3A_905 = arith.constant 896 : i32
    %dma_start3A_906 = arith.constant 0 : i32
    %dma_start3A_907 = tpu.memref_slice %arg7[%dma_start3A_905, %dma_start3A_906] : memref<1024x64xf32, #tpu.memory_space<vmem>> -> memref<128x64xf32, #tpu.memory_space<vmem>>
    %dma_start3A_908 = arith.constant 0 : i32
    %dma_start3A_909 = tpu.memref_slice %arg6[%dma_start3A_904, %dma_start3A_908] : memref<8x128xi32, #tpu.memory_space<vmem>> -> memref<1x128xi32, #tpu.memory_space<vmem>>
    %dma_start3A_910 = tpu.memref_squeeze %dma_start3A_909 : memref<1x128xi32, #tpu.memory_space<vmem>> -> memref<128xi32, #tpu.memory_space<vmem>>
    %dma_start3A_911 = arith.constant 0 : i32
    %dma_start3A_912 = arith.constant 0 : i32
    %dma_start3A_913 = tpu.memref_slice %arg3[%dma_start3A_911, %dma_start3A_912] : memref<2000x64xf32, #tpu.memory_space<hbm>> -> memref<2000x64xf32, #tpu.memory_space<hbm>>
    tpu.enqueue_indirect_dma source(%dma_start3A_913 : memref<2000x64xf32, #tpu.memory_space<hbm>>) target(%dma_start3A_907 : memref<128x64xf32, #tpu.memory_space<vmem>>) offsets(%dma_start3A_910 : memref<128xi32, #tpu.memory_space<vmem>>) semaphore(%arg8 : memref<!tpu.dma_semaphore, #tpu.memory_space<semaphore_mem>>)
    %dma_wait3A = arith.constant 0 : i32
    %dma_wait3A_914 = arith.constant 0 : i32
    %dma_wait3A_915 = arith.constant 0 : i32
    %dma_wait3A_916 = tpu.memref_slice %arg7[%dma_wait3A_914, %dma_wait3A_915] : memref<1024x64xf32, #tpu.memory_space<vmem>> -> memref<128x64xf32, #tpu.memory_space<vmem>>
    %dma_wait3A_917 = arith.constant 0 : i32
    %dma_wait3A_918 = tpu.memref_slice %arg6[%dma_wait3A, %dma_wait3A_917] : memref<8x128xi32, #tpu.memory_space<vmem>> -> memref<1x128xi32, #tpu.memory_space<vmem>>
    %dma_wait3A_919 = tpu.memref_squeeze %dma_wait3A_918 : memref<1x128xi32, #tpu.memory_space<vmem>> -> memref<128xi32, #tpu.memory_space<vmem>>
    %dma_wait3A_920 = arith.constant 0 : i32
    %dma_wait3A_921 = arith.constant 0 : i32
    %dma_wait3A_922 = tpu.memref_slice %arg3[%dma_wait3A_920, %dma_wait3A_921] : memref<2000x64xf32, #tpu.memory_space<hbm>> -> memref<2000x64xf32, #tpu.memory_space<hbm>>
    tpu.wait_indirect_dma semaphore(%arg8 : memref<!tpu.dma_semaphore, #tpu.memory_space<semaphore_mem>>) src(%dma_wait3A_922 : memref<2000x64xf32, #tpu.memory_space<hbm>>) dst(%dma_wait3A_916 : memref<128x64xf32, #tpu.memory_space<vmem>>)
    %dma_wait3A_923 = arith.constant 1 : i32
    %dma_wait3A_924 = arith.constant 128 : i32
    %dma_wait3A_925 = arith.constant 0 : i32
    %dma_wait3A_926 = tpu.memref_slice %arg7[%dma_wait3A_924, %dma_wait3A_925] : memref<1024x64xf32, #tpu.memory_space<vmem>> -> memref<128x64xf32, #tpu.memory_space<vmem>>
    %dma_wait3A_927 = arith.constant 0 : i32
    %dma_wait3A_928 = tpu.memref_slice %arg6[%dma_wait3A_923, %dma_wait3A_927] : memref<8x128xi32, #tpu.memory_space<vmem>> -> memref<1x128xi32, #tpu.memory_space<vmem>>
    %dma_wait3A_929 = tpu.memref_squeeze %dma_wait3A_928 : memref<1x128xi32, #tpu.memory_space<vmem>> -> memref<128xi32, #tpu.memory_space<vmem>>
    %dma_wait3A_930 = arith.constant 0 : i32
    %dma_wait3A_931 = arith.constant 0 : i32
    %dma_wait3A_932 = tpu.memref_slice %arg3[%dma_wait3A_930, %dma_wait3A_931] : memref<2000x64xf32, #tpu.memory_space<hbm>> -> memref<2000x64xf32, #tpu.memory_space<hbm>>
    tpu.wait_indirect_dma semaphore(%arg8 : memref<!tpu.dma_semaphore, #tpu.memory_space<semaphore_mem>>) src(%dma_wait3A_932 : memref<2000x64xf32, #tpu.memory_space<hbm>>) dst(%dma_wait3A_926 : memref<128x64xf32, #tpu.memory_space<vmem>>)
    %dma_wait3A_933 = arith.constant 2 : i32
    %dma_wait3A_934 = arith.constant 256 : i32
    %dma_wait3A_935 = arith.constant 0 : i32
    %dma_wait3A_936 = tpu.memref_slice %arg7[%dma_wait3A_934, %dma_wait3A_935] : memref<1024x64xf32, #tpu.memory_space<vmem>> -> memref<128x64xf32, #tpu.memory_space<vmem>>
    %dma_wait3A_937 = arith.constant 0 : i32
    %dma_wait3A_938 = tpu.memref_slice %arg6[%dma_wait3A_933, %dma_wait3A_937] : memref<8x128xi32, #tpu.memory_space<vmem>> -> memref<1x128xi32, #tpu.memory_space<vmem>>
    %dma_wait3A_939 = tpu.memref_squeeze %dma_wait3A_938 : memref<1x128xi32, #tpu.memory_space<vmem>> -> memref<128xi32, #tpu.memory_space<vmem>>
    %dma_wait3A_940 = arith.constant 0 : i32
    %dma_wait3A_941 = arith.constant 0 : i32
    %dma_wait3A_942 = tpu.memref_slice %arg3[%dma_wait3A_940, %dma_wait3A_941] : memref<2000x64xf32, #tpu.memory_space<hbm>> -> memref<2000x64xf32, #tpu.memory_space<hbm>>
    tpu.wait_indirect_dma semaphore(%arg8 : memref<!tpu.dma_semaphore, #tpu.memory_space<semaphore_mem>>) src(%dma_wait3A_942 : memref<2000x64xf32, #tpu.memory_space<hbm>>) dst(%dma_wait3A_936 : memref<128x64xf32, #tpu.memory_space<vmem>>)
    %dma_wait3A_943 = arith.constant 3 : i32
    %dma_wait3A_944 = arith.constant 384 : i32
    %dma_wait3A_945 = arith.constant 0 : i32
    %dma_wait3A_946 = tpu.memref_slice %arg7[%dma_wait3A_944, %dma_wait3A_945] : memref<1024x64xf32, #tpu.memory_space<vmem>> -> memref<128x64xf32, #tpu.memory_space<vmem>>
    %dma_wait3A_947 = arith.constant 0 : i32
    %dma_wait3A_948 = tpu.memref_slice %arg6[%dma_wait3A_943, %dma_wait3A_947] : memref<8x128xi32, #tpu.memory_space<vmem>> -> memref<1x128xi32, #tpu.memory_space<vmem>>
    %dma_wait3A_949 = tpu.memref_squeeze %dma_wait3A_948 : memref<1x128xi32, #tpu.memory_space<vmem>> -> memref<128xi32, #tpu.memory_space<vmem>>
    %dma_wait3A_950 = arith.constant 0 : i32
    %dma_wait3A_951 = arith.constant 0 : i32
    %dma_wait3A_952 = tpu.memref_slice %arg3[%dma_wait3A_950, %dma_wait3A_951] : memref<2000x64xf32, #tpu.memory_space<hbm>> -> memref<2000x64xf32, #tpu.memory_space<hbm>>
    tpu.wait_indirect_dma semaphore(%arg8 : memref<!tpu.dma_semaphore, #tpu.memory_space<semaphore_mem>>) src(%dma_wait3A_952 : memref<2000x64xf32, #tpu.memory_space<hbm>>) dst(%dma_wait3A_946 : memref<128x64xf32, #tpu.memory_space<vmem>>)
    %dma_wait3A_953 = arith.constant 4 : i32
    %dma_wait3A_954 = arith.constant 512 : i32
    %dma_wait3A_955 = arith.constant 0 : i32
    %dma_wait3A_956 = tpu.memref_slice %arg7[%dma_wait3A_954, %dma_wait3A_955] : memref<1024x64xf32, #tpu.memory_space<vmem>> -> memref<128x64xf32, #tpu.memory_space<vmem>>
    %dma_wait3A_957 = arith.constant 0 : i32
    %dma_wait3A_958 = tpu.memref_slice %arg6[%dma_wait3A_953, %dma_wait3A_957] : memref<8x128xi32, #tpu.memory_space<vmem>> -> memref<1x128xi32, #tpu.memory_space<vmem>>
    %dma_wait3A_959 = tpu.memref_squeeze %dma_wait3A_958 : memref<1x128xi32, #tpu.memory_space<vmem>> -> memref<128xi32, #tpu.memory_space<vmem>>
    %dma_wait3A_960 = arith.constant 0 : i32
    %dma_wait3A_961 = arith.constant 0 : i32
    %dma_wait3A_962 = tpu.memref_slice %arg3[%dma_wait3A_960, %dma_wait3A_961] : memref<2000x64xf32, #tpu.memory_space<hbm>> -> memref<2000x64xf32, #tpu.memory_space<hbm>>
    tpu.wait_indirect_dma semaphore(%arg8 : memref<!tpu.dma_semaphore, #tpu.memory_space<semaphore_mem>>) src(%dma_wait3A_962 : memref<2000x64xf32, #tpu.memory_space<hbm>>) dst(%dma_wait3A_956 : memref<128x64xf32, #tpu.memory_space<vmem>>)
    %dma_wait3A_963 = arith.constant 5 : i32
    %dma_wait3A_964 = arith.constant 640 : i32
    %dma_wait3A_965 = arith.constant 0 : i32
    %dma_wait3A_966 = tpu.memref_slice %arg7[%dma_wait3A_964, %dma_wait3A_965] : memref<1024x64xf32, #tpu.memory_space<vmem>> -> memref<128x64xf32, #tpu.memory_space<vmem>>
    %dma_wait3A_967 = arith.constant 0 : i32
    %dma_wait3A_968 = tpu.memref_slice %arg6[%dma_wait3A_963, %dma_wait3A_967] : memref<8x128xi32, #tpu.memory_space<vmem>> -> memref<1x128xi32, #tpu.memory_space<vmem>>
    %dma_wait3A_969 = tpu.memref_squeeze %dma_wait3A_968 : memref<1x128xi32, #tpu.memory_space<vmem>> -> memref<128xi32, #tpu.memory_space<vmem>>
    %dma_wait3A_970 = arith.constant 0 : i32
    %dma_wait3A_971 = arith.constant 0 : i32
    %dma_wait3A_972 = tpu.memref_slice %arg3[%dma_wait3A_970, %dma_wait3A_971] : memref<2000x64xf32, #tpu.memory_space<hbm>> -> memref<2000x64xf32, #tpu.memory_space<hbm>>
    tpu.wait_indirect_dma semaphore(%arg8 : memref<!tpu.dma_semaphore, #tpu.memory_space<semaphore_mem>>) src(%dma_wait3A_972 : memref<2000x64xf32, #tpu.memory_space<hbm>>) dst(%dma_wait3A_966 : memref<128x64xf32, #tpu.memory_space<vmem>>)
    %dma_wait3A_973 = arith.constant 6 : i32
    %dma_wait3A_974 = arith.constant 768 : i32
    %dma_wait3A_975 = arith.constant 0 : i32
    %dma_wait3A_976 = tpu.memref_slice %arg7[%dma_wait3A_974, %dma_wait3A_975] : memref<1024x64xf32, #tpu.memory_space<vmem>> -> memref<128x64xf32, #tpu.memory_space<vmem>>
    %dma_wait3A_977 = arith.constant 0 : i32
    %dma_wait3A_978 = tpu.memref_slice %arg6[%dma_wait3A_973, %dma_wait3A_977] : memref<8x128xi32, #tpu.memory_space<vmem>> -> memref<1x128xi32, #tpu.memory_space<vmem>>
    %dma_wait3A_979 = tpu.memref_squeeze %dma_wait3A_978 : memref<1x128xi32, #tpu.memory_space<vmem>> -> memref<128xi32, #tpu.memory_space<vmem>>
    %dma_wait3A_980 = arith.constant 0 : i32
    %dma_wait3A_981 = arith.constant 0 : i32
    %dma_wait3A_982 = tpu.memref_slice %arg3[%dma_wait3A_980, %dma_wait3A_981] : memref<2000x64xf32, #tpu.memory_space<hbm>> -> memref<2000x64xf32, #tpu.memory_space<hbm>>
    tpu.wait_indirect_dma semaphore(%arg8 : memref<!tpu.dma_semaphore, #tpu.memory_space<semaphore_mem>>) src(%dma_wait3A_982 : memref<2000x64xf32, #tpu.memory_space<hbm>>) dst(%dma_wait3A_976 : memref<128x64xf32, #tpu.memory_space<vmem>>)
    %dma_wait3A_983 = arith.constant 7 : i32
    %dma_wait3A_984 = arith.constant 896 : i32
    %dma_wait3A_985 = arith.constant 0 : i32
    %dma_wait3A_986 = tpu.memref_slice %arg7[%dma_wait3A_984, %dma_wait3A_985] : memref<1024x64xf32, #tpu.memory_space<vmem>> -> memref<128x64xf32, #tpu.memory_space<vmem>>
    %dma_wait3A_987 = arith.constant 0 : i32
    %dma_wait3A_988 = tpu.memref_slice %arg6[%dma_wait3A_983, %dma_wait3A_987] : memref<8x128xi32, #tpu.memory_space<vmem>> -> memref<1x128xi32, #tpu.memory_space<vmem>>
    %dma_wait3A_989 = tpu.memref_squeeze %dma_wait3A_988 : memref<1x128xi32, #tpu.memory_space<vmem>> -> memref<128xi32, #tpu.memory_space<vmem>>
    %dma_wait3A_990 = arith.constant 0 : i32
    %dma_wait3A_991 = arith.constant 0 : i32
    %dma_wait3A_992 = tpu.memref_slice %arg3[%dma_wait3A_990, %dma_wait3A_991] : memref<2000x64xf32, #tpu.memory_space<hbm>> -> memref<2000x64xf32, #tpu.memory_space<hbm>>
    tpu.wait_indirect_dma semaphore(%arg8 : memref<!tpu.dma_semaphore, #tpu.memory_space<semaphore_mem>>) src(%dma_wait3A_992 : memref<2000x64xf32, #tpu.memory_space<hbm>>) dst(%dma_wait3A_986 : memref<128x64xf32, #tpu.memory_space<vmem>>)
    "tpu.region"() ({
      %run_scoped3A = tpu.sem_alloc : memref<!tpu.dma_semaphore, #tpu.memory_space<semaphore_mem>>
      %dma_start3A_993 = arith.constant 0 : i32
      %dma_start3A_994 = tpu.memref_slice %arg4[%mul3A_2, %dma_start3A_993] : memref<32768x64xf32, #tpu.memory_space<hbm>> -> memref<1024x64xf32, #tpu.memory_space<hbm>>
      %dma_start3A_995 = arith.constant 0 : i32
      %dma_start3A_996 = tpu.memref_slice %arg4[%mul3A_2, %dma_start3A_995] : memref<32768x64xf32, #tpu.memory_space<hbm>> -> memref<1024x64xf32, #tpu.memory_space<hbm>>
      tpu.enqueue_dma source(%arg7 : memref<1024x64xf32, #tpu.memory_space<vmem>>) target(%dma_start3A_996 : memref<1024x64xf32, #tpu.memory_space<hbm>>) target_semaphore(%run_scoped3A : memref<!tpu.dma_semaphore, #tpu.memory_space<semaphore_mem>>)
      %dma_wait3A_997 = arith.constant 0 : i32
      %dma_wait3A_998 = tpu.memref_slice %arg4[%mul3A_2, %dma_wait3A_997] : memref<32768x64xf32, #tpu.memory_space<hbm>> -> memref<1024x64xf32, #tpu.memory_space<hbm>>
      %dma_wait3A_999 = arith.constant 0 : i32
      %dma_wait3A_1000 = tpu.memref_slice %arg4[%mul3A_2, %dma_wait3A_999] : memref<32768x64xf32, #tpu.memory_space<hbm>> -> memref<1024x64xf32, #tpu.memory_space<hbm>>
      tpu.wait_dma2 semaphore(%run_scoped3A : memref<!tpu.dma_semaphore, #tpu.memory_space<semaphore_mem>>) src(%arg7 : memref<1024x64xf32, #tpu.memory_space<vmem>>) dst(%dma_wait3A_1000 : memref<1024x64xf32, #tpu.memory_space<hbm>>)
      tpu.yield
    }) : () -> ()
    return
  }
}

</mosaic_0001>

<sc_bundles>
// kernel: kernel.3.cloned.1.call-start
scs
__scs_entry_jumppad:
0x0: {  	(pc) =	sbr.rel $0x88, $3  }
0x1: {  	(tag) =	ssettag $0x0;
	lr =	simm.s32 $0x1  }
0x2: {  	[smem:$0x3F9F] =	sst lr;
	_ =	strace $0xD0000000  }
0x3: {  	_ = 	snop  }
0x4: {  	_ = 	snop  }
0x5: {  	_ = 	snop  }
0x6: {  	_ = 	snop  }
0x7: {  	_ = 	snop  }
__scs_overlays_trampoline_lowered:
0x8: {  	[smem:$0x3FAE] =	sst s0  }
0x9: {  	[smem:$0x3FAF] =	sst s1  }
0xa: {  	[smem:$0x3FB0] =	sst s2  }
0xb: {  	[smem:$0x3FB1] =	sst s3  }
0xc: {  	[smem:$0x3FB2] =	sst s4  }
0xd: {  	[smem:$0x3FB3] =	sst s5  }
0xe: {  	[smem:$0x3FB4] =	sst s6  }
0xf: {  	[smem:$0x3FB5] =	sst s7  }
0x10: {  	[smem:$0x3FB6] =	sst s8  }
0x11: {  	[smem:$0x3FB7] =	sst s9;
	s0 =	simm.s32 @!p0 $0x0  }
0x12: {  	s1 =	sld [smem:$0x3F9D];
	s0 =	simm.s32 @p0 $0x1  }
0x13: {  	[smem:$0x3FB8] =	sst s0;
	s0 =	simm.s32 @!p1 $0x0  }
0x14: {  	s2 =	sld [smem:$0x3F9C];
	s0 =	simm.s32 @p1 $0x1  }
0x15: {  	[smem:$0x3FB9] =	sst s0;
	s0 =	simm.s32 @!p2 $0x0  }
0x16: {  	s3 =	sld [smem:$0x3FDB];
	s0 =	simm.s32 @p2 $0x1  }
0x17: {  	s4 =	simm.s32 $0x1BF5;
	[smem:$0x3FBB] =	sst s0  }
0x18: {  	s0 =	sld [smem:$0x3F9E];
	_ =	swait.ge [sflag:s4], $0x0  }
0x19: {  	s7 =	sld [smem:$0x3F9F]  }
0x1a: {  	s8 =	sadd.s32 $0xFFFFE003, lr  }
0x1b: {  	s9 =	sadd.s32 $0xFFFFFEF7, lr;
	s5 =	simm.s32 $0xFFFFFFFF;
	p2 =	slt.u32 s8, $0xFFFFF086  }
0x1c: {  	p1 =	slt.u32 s9, $0xF7A;
	s5 =	simm.s32 @!p2 $0x0  }
0x1d: {  	s5 =	simm.s32 @p1 $0x1;
	p0 =	seq.s32 s7, s2  }
0x1e: {  	s7 =	smul.u32 @!p0 $0xF7A, s2;
	p2 =	seq.s32 @!p0 s5, $0x0  }
0x1f: {  	s9 =	smul.u32 $0xF7A, s1;
	s8 =	simm.s32 @!p0 $0x1BF5;
	p2 =	por !p2, p0  }
0x20: {  	[sflag:s8] =	ssyncset.s32 @!p0 $0xFFFFF086;
	s6 =	sadd.s32 @!p0 s3, s7;
	s7 =	simm.s32 @!p0 $0x108  }
0x21: {  	s3 =	sadd.s32 s3, s9;
	s6 =	sadd.s32 @!p0 $0x88, s6;
	s7 =	simm.s32 @p2 $0x1082  }
0x22: {  	[simem:s7], [sflag:s8] =	dma.local @!p0 [hbm:s6], $0xF7A  }
0x23: {  	s9 =	sor.u32 $0xD0000000, s2;
	s6 =	simm.s32 $0x108;
	_ =	swait.ge @!p0 [sflag:s8], $0x0  }
0x24: {  	s3 =	sadd.s32 $0x88, s3;
	s6 =	simm.s32 @!p1 $0x1082;
	[sflag:s4] =	ssyncset.s32 $0xFFFFF086  }
0x25: {  	[simem:s6], [sflag:s4] =	dma.local [hbm:s3], $0xF7A  }
0x26: {  	[smem:$0x3F9F] =	sst s1;
	(tag) =	ssettag s2;
	_ =	strace s9  }
0x27: {  	s1 =	sld [smem:$0x3FAF]  }
0x28: {  	s2 =	sld [smem:$0x3FB0]  }
0x29: {  	s4 =	sld [smem:$0x3FB2]  }
0x2a: {  	p0 =	seq.s32 s5, $0x0;
	s5 =	sld [smem:$0x3FB3]  }
0x2b: {  	s6 =	sld [smem:$0x3FB4]  }
0x2c: {  	s7 =	sld [smem:$0x3FB5]  }
0x2d: {  	s3 =	simm.s32 $0x108;
	s8 =	sld [smem:$0x3FB6]  }
0x2e: {  	s3 =	simm.s32 @!p0 $0x1082;
	s9 =	sld [smem:$0x3FB7]  }
0x2f: {  	lr =	sadd.s32 s0, s3;
	s0 =	sld [smem:$0x3FAE]  }
0x30: {  	s3 =	sld [smem:$0x3FB1]  }
0x31: {  	[smem:$0x3FBA] =	sst s10  }
0x32: {  	s10 =	sld [smem:$0x3FB8];
	_ =	sdelay $0x3  }
0x33: {  	p0 =	seq.s32 s10, $0x1;
	s10 =	sld [smem:$0x3FBA];
	_ =	sdelay $0x3  }
0x34: {  	[smem:$0x3FBA] =	sst s10  }
0x35: {  	s10 =	sld [smem:$0x3FB9];
	_ =	sdelay $0x3  }
0x36: {  	p1 =	seq.s32 s10, $0x1;
	s10 =	sld [smem:$0x3FBA];
	_ =	sdelay $0x3  }
0x37: {  	[smem:$0x3FBA] =	sst s10  }
0x38: {  	s10 =	sld [smem:$0x3FBB]  }
0x39: {  	_ = 	snop;
	(pc) =	sbr.ind lr, $3  }
0x3a: {  	_ = 	snop  }
0x3b: {  	_ = 	snop  }
0x3c: {  	p2 =	seq.s32 s10, $0x1;
	s10 =	sld [smem:$0x3FBA]  }
0x3d: {  	_ =	shalt  }
0x3e: {  	_ =	shalt  }
0x3f: {  	_ =	shalt  }
0x40: {  	_ =	shalt  }
0x41: {  	_ =	shalt  }
0x42: {  	_ =	shalt  }
0x43: {  	_ =	shalt  }
0x44: {  	_ =	shalt  }
0x45: {  	_ =	shalt  }
0x46: {  	_ =	shalt  }
0x47: {  	_ =	shalt  }
0x48: {  	_ =	shalt  }
0x49: {  	_ =	shalt  }
0x4a: {  	_ =	shalt  }
0x4b: {  	_ =	shalt  }
0x4c: {  	_ =	shalt  }
0x4d: {  	_ =	shalt  }
0x4e: {  	_ =	shalt  }
0x4f: {  	_ =	shalt  }
0x50: {  	_ =	shalt  }
0x51: {  	_ =	shalt  }
0x52: {  	_ =	shalt  }
0x53: {  	_ =	shalt  }
0x54: {  	_ =	shalt  }
0x55: {  	_ =	shalt  }
0x56: {  	_ =	shalt  }
0x57: {  	_ =	shalt  }
0x58: {  	_ =	shalt  }
0x59: {  	_ =	shalt  }
0x5a: {  	_ =	shalt  }
0x5b: {  	_ =	shalt  }
0x5c: {  	_ =	shalt  }
0x5d: {  	_ =	shalt  }
0x5e: {  	_ =	shalt  }
0x5f: {  	_ =	shalt  }
0x60: {  	_ =	shalt  }
0x61: {  	_ =	shalt  }
0x62: {  	_ =	shalt  }
0x63: {  	_ =	shalt  }
0x64: {  	_ =	shalt  }
0x65: {  	_ =	shalt  }
0x66: {  	_ =	shalt  }
0x67: {  	_ =	shalt  }
0x68: {  	_ =	shalt  }
0x69: {  	_ =	shalt  }
0x6a: {  	_ =	shalt  }
0x6b: {  	_ =	shalt  }
0x6c: {  	_ =	shalt  }
0x6d: {  	_ =	shalt  }
0x6e: {  	_ =	shalt  }
0x6f: {  	_ =	shalt  }
0x70: {  	_ =	shalt  }
0x71: {  	_ =	shalt  }
0x72: {  	_ =	shalt  }
0x73: {  	_ =	shalt  }
0x74: {  	_ =	shalt  }
0x75: {  	_ =	shalt  }
0x76: {  	_ =	shalt  }
0x77: {  	_ =	shalt  }
0x78: {  	_ =	shalt  }
0x79: {  	_ =	shalt  }
0x7a: {  	_ =	shalt  }
0x7b: {  	_ =	shalt  }
0x7c: {  	_ =	shalt  }
0x7d: {  	_ =	shalt  }
0x7e: {  	_ =	shalt  }
0x7f: {  	_ =	shalt  }
0x80: {  	_ =	shalt  }
0x81: {  	_ =	shalt  }
0x82: {  	_ =	shalt  }
0x83: {  	_ =	shalt  }
0x84: {  	_ =	shalt  }
0x85: {  	_ =	shalt  }
0x86: {  	_ =	shalt  }
0x87: {  	_ =	shalt  }
.Lfunc_end0:
.L_simem_size_0:
called_computation_lowered:
.L_overlay_start_0:
0x88: {  	s2 =	sld [smem:$0x3FD9]  }
0x89: {  	s3 =	sld [smem:$0x3FFE];
	_ =	sdelay $0x1  }
0x8a: {  	s1 =	srdreg.scid  }
0x8b: {  	s0 =	sand.u32 $0x1, s1  }
0x8c: {  	s17 =	sshll.u32 s0, $0xA;
	s2 =	sadd.s32 s3, s2  }
0x8d: {  	s2 =	sadd.s32 s2, s17  }
0x8e: {  	[smem:$0x3FC6] =	sst s2  }
0x8f: {  	_ = 	snop  }
0x90: {  	s2 =	sld [smem:$0x3FC8]  }
0x91: {  	s18 =	sld [smem:$0x3FD0];
	(tm) =	ssettm $0x1  }
0x92: {  	s4 =	sld [smem:$0x3FFB];
	_ =	sdelay $0x3  }
0x93: {  	_ =	strace s4  }
0x94: {  	s4 =	sld [smem:$0x3FFC];
	_ =	sdelay $0x3  }
0x95: {  	_ =	strace s4  }
0x96: {  	s4 =	sld [smem:$0x3FFD];
	_ =	sdelay $0x3  }
0x97: {  	_ =	strace s4  }
0x98: {  	_ =	strace $0x8FFFFFFF  }
0x99: {  	s19 =	sld [smem:$0x3FDB];
	_ =	sdelay $0x1  }
0x9a: {  	s5 =	simm.s32 $_scs_section_size  }
0x9b: {  	s6 =	simm.s32 $_size__tile_overlayer_lowered;
	s7 =	simm.s32 $_tile_overlayer_lowered  }
0x9c: {  	s22 =	simm.s32 $0x1BFF;
	s21 =	sshll.u32 s7, $0x1;
	s4 =	sadd.s32 s5, s19  }
0x9d: {  	s8 =	simm.s32 $0x0;
	s20 =	sshll.u32 s6, $0x1;
	s6 =	sadd.s32 s21, s4  }
0x9e: {  	[timem:s8], [sflag:s22] =	dma.local [hbm:s6], s20  }
0x9f: {  	_ =	swait.ge [sflag:s22], s20  }
0xa0: {  	s5 =	ssub.s32 $0x0, s20;
	[sflag:s22] =	ssyncset.done $0x0  }
0xa1: {  	[sflag:s22] =	ssyncadd.s32 s5;
	_ =	sdelay $0x1  }
0xa2: {  	s23 =	simm.s32 $0x1B8B  }
0xa3: {  	_ =	swait.ge [sflag:s23], $0x1  }
0xa4: {  	[sflag:s23] =	ssyncset.done $0x0  }
0xa5: {  	s25 =	simm.s32 $0x1B8E;
	s24 =	sld [smem:$0x3FFE];
	[sflag:s23] =	ssyncadd.s32 $0xFFFFFFFF  }
0xa6: {  	s26 =	simm.s32 $execute0_lowered;
	[smem:$0x3FD2] =	sst s25  }
0xa7: {  	s6 =	sshll.u32 s26, $0x1;
	_ =	strace $0x80000046;
	[dreg:$0x1] =	wrdreg $0xFFFFFFFF  }
0xa8: {  	s28 =	simm.s32 $_size_execute0_lowered;
	s4 =	sadd.s32 s4, s6;
	[dreg:$0x0] =	wrdreg $0x0  }
0xa9: {  	s6 =	sshll.u32 s28, $0x1;
	[dreg:$0x2] =	wrdreg s4  }
0xaa: {  	[dreg:$0x3] =	wrdreg s6  }
0xab: {  	[dreg:$0x4] =	wrdreg $0xC0  }
0xac: {  	_ =	task [dreg:s8], $0x5FFFF  }
0xad: {  	[dreg:$0x1] =	wrdreg $0xFFFFFFFF  }
0xae: {  	[dreg:$0x0] =	wrdreg $0x60  }
0xaf: {  	[dreg:$0x2] =	wrdreg s24  }
0xb0: {  	[dreg:$0x3] =	wrdreg s2  }
0xb1: {  	[dreg:$0x4] =	wrdreg s18  }
0xb2: {  	[dreg:$0x5] =	wrdreg $0x9  }
0xb3: {  	_ =	task.clear_ibuf [dreg:s8], $0x6FFFF;
	_ =	strace $0x90000046  }
0xb4: {  	s29 =	simm.s32 $0x9;
	_ =	strace $0x80000048  }
0xb5: {  	_ =	swait.ge [sflag:s29], $0x1  }
0xb6: {  	[sflag:s29] =	ssyncadd.s32 $0xFFFFFFFF  }
0xb7: {  	_ =	strace $0x90000048  }
0xb8: {  	_ =	sfence  }
0xb9: {  	s30 =	sld [smem:$0x0];
	_ =	sdelay $0x2  }
0xba: {  	s31 =	sshll.u32 s1, $0xD;
	s1 =	sshrl.u32 s1, $0x2  }
0xbb: {  	s3 =	sand.u32 $0x4000, s31;
	s1 =	sadd.s32 s1, s30  }
0xbc: {  	s0 =	sor.u32 s3, s0;
	s1 =	sshll.u32 s1, $0x11  }
0xbd: {  	s0 =	sor.u32 s1, s0  }
0xbe: {  	s0 =	sadd.s32 $0x8F2B, s0  }
0xbf: {  	[sflag:s0] =	ssyncadd.remote.s32 $0x1  }
0xc0: {  	_ =	sfence.sel $0xFFFF  }
0xc1: {  	[dreg:$0x0] =	wrdreg $0xFFFFFFFF;
	(pc) =	sbr.abs _section_cstart, $3  }
0xc2: {  	[dreg:$0x1] =	wrdreg $0xFFFFFFFF  }
0xc3: {  	_ =	task.clear_ibuf [dreg:s8], $0x2FFFF;
	_ =	strace $0x9FFFFFFF  }
0xc4: {  	(tm) =	ssettm $0x7FFFFFFF  }
0xc5: {  	_ =	shalt  }
tec
execute0_lowered:
.L_overlay_start_1:
0x0: {  	(tag) =	ssettag $0x1  }
0x1: {  	s4 =	rddreg [dreg:$0x0]  }
0x2: {  	s1 =	srdreg.scid;
	s2 =	rddreg [dreg:$0x1]  }
0x3: {  	s0 =	stileid.u32;
	s6 =	rddreg [dreg:$0x2]  }
0x4: {  	s3 =	simm.s32 $0x0;
	s9 =	simm.s32 $0x400;
	s10 =	simm.s32 $0x800  }
0x5: {  	s11 =	simm.s32 $0x480;
	s12 =	simm.s32 $0x2800;
	s13 =	simm.s32 $0x500  }
0x6: {  	s14 =	simm.s32 $0x4800;
	s15 =	simm.s32 $0x580;
	s16 =	simm.s32 $0x6800  }
0x7: {  	s17 =	simm.s32 $0x600;
	s18 =	simm.s32 $0x8800;
	s19 =	simm.s32 $0x680  }
0x8: {  	s20 =	simm.s32 $0xA800;
	s21 =	simm.s32 $0x700;
	s22 =	simm.s32 $0xC800  }
0x9: {  	s23 =	simm.s32 $0x780;
	s24 =	simm.s32 $0xE800;
	s25 =	simm.s32 $0x1  }
0xa: {  	s5 =	sand.u32 $0x1, s1;
	s7 =	sshll.u32 s0, $0xB;
	s1 =	rddreg [dreg:$0x3]  }
0xb: {  	[smem:$0x7FF] =	sst s3;
	s8 =	sshll.u32 s5, $0xA;
	s5 =	ssub.s32 $0x2, s5  }
0xc: {  	_ =	strace $0x80000047;
	s7 =	sor.u32 s8, s7;
	s30 =	sshrl.u32 s5, $0x1  }
0xd: {  	s8 =	sshrl.u32 s7, $0x3;
	s31 =	sshll.u32 s7, $0x3;
	s7 =	simm.s32 $0x2  }
0xe: {  	v0 =	vlaneseq.u32;
	s4 =	sadd.s32 s8, s4;
	s8 =	ssub.s32 s5, s30;
	s5 =	sadd.s32 s6, s31  }
0xf: {  	v0 =	vand.u32 $0x1, v0;
	s4 =	sadd.s32 $0x400, s4;
	s6 =	smax.u32 s8, $0x1;
	s8 =	simm.s32 $0x80  }
.LBB2_1:
0x10: {  	[tilespmem:s3], [sflag:$0x2] =	stream.linear.gather [hbm4b:s4+s3], $0x400, $0x38;
	[tilespmem:$0x10800] =	vst v63  }
0x11: {  	_ =	swait.ge [sflag:s7], $0x400  }
0x12: {  	[sflag:s7] =	ssyncset.done $0x0  }
0x13: {  	[sflag:s7] =	ssyncadd.s32 $0xFFFFFC00  }
0x14: {  	v1 =	vld [tilespmem:$0x0]  }
0x15: {  	v2 =	vld [tilespmem:$0x10]  }
0x16: {  	v3 =	vld [tilespmem:$0x20]  }
0x17: {  	v4 =	vld [tilespmem:$0x30]  }
0x18: {  	v5 =	vld [tilespmem:$0x40]  }
0x19: {  	v6 =	vld [tilespmem:$0x50];
	v1 =	vshll.u32 v1, $0x1  }
0x1a: {  	v7 =	vld [tilespmem:$0x60];
	v2 =	vshll.u32 v2, $0x1;
	v1 =	vor.u32 v0, v1  }
0x1b: {  	[tilespmem:$0x400] =	vst v1;
	v1 =	vor.u32 v0, v2;
	v2 =	vshll.u32 v3, $0x1;
	v3 =	vld [tilespmem:$0x70]  }
0x1c: {  	v19 =	vld [tilespmem:$0x80];
	[tilespmem:$0x410] =	vst v1;
	v1 =	vor.u32 v0, v2;
	v2 =	vshll.u32 v4, $0x1  }
0x1d: {  	v20 =	vld [tilespmem:$0x90];
	[tilespmem:$0x420] =	vst v1;
	v1 =	vor.u32 v0, v2;
	v2 =	vshll.u32 v5, $0x1  }
0x1e: {  	v21 =	vld [tilespmem:$0xA0];
	[tilespmem:$0x430] =	vst v1;
	v1 =	vor.u32 v0, v2;
	v2 =	vshll.u32 v6, $0x1  }
0x1f: {  	v22 =	vld [tilespmem:$0xB0];
	[tilespmem:$0x440] =	vst v1;
	v1 =	vor.u32 v0, v2;
	v2 =	vshll.u32 v7, $0x1  }
0x20: {  	[tilespmem:$0x450] =	vst v1;
	v1 =	vor.u32 v0, v2;
	v2 =	vshll.u32 v3, $0x1;
	v3 =	vld [tilespmem:$0xC0]  }
0x21: {  	v23 =	vld [tilespmem:$0xD0];
	[tilespmem:$0x460] =	vst v1;
	v1 =	vor.u32 v0, v2;
	v2 =	vshll.u32 v19, $0x1  }
0x22: {  	v24 =	vld [tilespmem:$0xE0];
	[tilespmem:$0x470] =	vst v1;
	v1 =	vor.u32 v0, v2;
	v2 =	vshll.u32 v20, $0x1  }
0x23: {  	v25 =	vld [tilespmem:$0xF0];
	[tilespmem:$0x480] =	vst v1;
	v1 =	vor.u32 v0, v2;
	v2 =	vshll.u32 v21, $0x1  }
0x24: {  	v26 =	vld [tilespmem:$0x100];
	[tilespmem:$0x490] =	vst v1;
	v1 =	vor.u32 v0, v2;
	v2 =	vshll.u32 v22, $0x1  }
0x25: {  	[tilespmem:$0x4A0] =	vst v1;
	v1 =	vor.u32 v0, v2;
	v2 =	vshll.u32 v3, $0x1;
	v3 =	vld [tilespmem:$0x110]  }
0x26: {  	v27 =	vld [tilespmem:$0x120];
	[tilespmem:$0x4B0] =	vst v1;
	v1 =	vor.u32 v0, v2;
	v2 =	vshll.u32 v23, $0x1  }
0x27: {  	v28 =	vld [tilespmem:$0x130];
	[tilespmem:$0x4C0] =	vst v1;
	v1 =	vor.u32 v0, v2;
	v2 =	vshll.u32 v24, $0x1  }
0x28: {  	v29 =	vld [tilespmem:$0x140];
	[tilespmem:$0x4D0] =	vst v1;
	v1 =	vor.u32 v0, v2;
	v2 =	vshll.u32 v25, $0x1  }
0x29: {  	v30 =	vld [tilespmem:$0x150];
	[tilespmem:$0x4E0] =	vst v1;
	v1 =	vor.u32 v0, v2;
	v2 =	vshll.u32 v26, $0x1  }
0x2a: {  	[tilespmem:$0x4F0] =	vst v1;
	v1 =	vor.u32 v0, v2;
	v2 =	vshll.u32 v3, $0x1;
	v3 =	vld [tilespmem:$0x160]  }
0x2b: {  	v31 =	vld [tilespmem:$0x170];
	[tilespmem:$0x500] =	vst v1;
	v1 =	vor.u32 v0, v2;
	v2 =	vshll.u32 v27, $0x1  }
0x2c: {  	v32 =	vld [tilespmem:$0x180];
	[tilespmem:$0x510] =	vst v1;
	v1 =	vor.u32 v0, v2;
	v2 =	vshll.u32 v28, $0x1  }
0x2d: {  	v33 =	vld [tilespmem:$0x190];
	[tilespmem:$0x520] =	vst v1;
	v1 =	vor.u32 v0, v2;
	v2 =	vshll.u32 v29, $0x1  }
0x2e: {  	v34 =	vld [tilespmem:$0x1A0];
	[tilespmem:$0x530] =	vst v1;
	v1 =	vor.u32 v0, v2;
	v2 =	vshll.u32 v30, $0x1  }
0x2f: {  	[tilespmem:$0x540] =	vst v1;
	v1 =	vor.u32 v0, v2;
	v2 =	vshll.u32 v3, $0x1;
	v3 =	vld [tilespmem:$0x1B0]  }
0x30: {  	v35 =	vld [tilespmem:$0x1C0];
	[tilespmem:$0x550] =	vst v1;
	v1 =	vor.u32 v0, v2;
	v2 =	vshll.u32 v31, $0x1  }
0x31: {  	v36 =	vld [tilespmem:$0x1D0];
	[tilespmem:$0x560] =	vst v1;
	v1 =	vor.u32 v0, v2;
	v2 =	vshll.u32 v32, $0x1  }
0x32: {  	v37 =	vld [tilespmem:$0x1E0];
	[tilespmem:$0x570] =	vst v1;
	v1 =	vor.u32 v0, v2;
	v2 =	vshll.u32 v33, $0x1  }
0x33: {  	v38 =	vld [tilespmem:$0x1F0];
	[tilespmem:$0x580] =	vst v1;
	v1 =	vor.u32 v0, v2;
	v2 =	vshll.u32 v34, $0x1  }
0x34: {  	[tilespmem:$0x590] =	vst v1;
	v1 =	vor.u32 v0, v2;
	v2 =	vshll.u32 v3, $0x1;
	v3 =	vld [tilespmem:$0x200]  }
0x35: {  	v39 =	vld [tilespmem:$0x210];
	[tilespmem:$0x5A0] =	vst v1;
	v1 =	vor.u32 v0, v2;
	v2 =	vshll.u32 v35, $0x1  }
0x36: {  	v40 =	vld [tilespmem:$0x220];
	[tilespmem:$0x5B0] =	vst v1;
	v1 =	vor.u32 v0, v2;
	v2 =	vshll.u32 v36, $0x1  }
0x37: {  	v41 =	vld [tilespmem:$0x230];
	[tilespmem:$0x5C0] =	vst v1;
	v1 =	vor.u32 v0, v2;
	v2 =	vshll.u32 v37, $0x1  }
0x38: {  	v42 =	vld [tilespmem:$0x240];
	[tilespmem:$0x5D0] =	vst v1;
	v1 =	vor.u32 v0, v2;
	v2 =	vshll.u32 v38, $0x1  }
0x39: {  	[tilespmem:$0x5E0] =	vst v1;
	v1 =	vor.u32 v0, v2;
	v2 =	vshll.u32 v3, $0x1;
	v3 =	vld [tilespmem:$0x250]  }
0x3a: {  	v43 =	vld [tilespmem:$0x260];
	[tilespmem:$0x5F0] =	vst v1;
	v1 =	vor.u32 v0, v2;
	v2 =	vshll.u32 v39, $0x1  }
0x3b: {  	v44 =	vld [tilespmem:$0x270];
	[tilespmem:$0x600] =	vst v1;
	v1 =	vor.u32 v0, v2;
	v2 =	vshll.u32 v40, $0x1  }
0x3c: {  	v45 =	vld [tilespmem:$0x280];
	[tilespmem:$0x610] =	vst v1;
	v1 =	vor.u32 v0, v2;
	v2 =	vshll.u32 v41, $0x1  }
0x3d: {  	v46 =	vld [tilespmem:$0x290];
	[tilespmem:$0x620] =	vst v1;
	v1 =	vor.u32 v0, v2;
	v2 =	vshll.u32 v42, $0x1  }
0x3e: {  	[tilespmem:$0x630] =	vst v1;
	v1 =	vor.u32 v0, v2;
	v2 =	vshll.u32 v3, $0x1;
	v3 =	vld [tilespmem:$0x2A0]  }
0x3f: {  	v47 =	vld [tilespmem:$0x2B0];
	[tilespmem:$0x640] =	vst v1;
	v1 =	vor.u32 v0, v2;
	v2 =	vshll.u32 v43, $0x1  }
0x40: {  	v48 =	vld [tilespmem:$0x2C0];
	[tilespmem:$0x650] =	vst v1;
	v1 =	vor.u32 v0, v2;
	v2 =	vshll.u32 v44, $0x1  }
0x41: {  	v49 =	vld [tilespmem:$0x2D0];
	[tilespmem:$0x660] =	vst v1;
	v1 =	vor.u32 v0, v2;
	v2 =	vshll.u32 v45, $0x1  }
0x42: {  	v50 =	vld [tilespmem:$0x2E0];
	[tilespmem:$0x670] =	vst v1;
	v1 =	vor.u32 v0, v2;
	v2 =	vshll.u32 v46, $0x1  }
0x43: {  	[tilespmem:$0x680] =	vst v1;
	v1 =	vor.u32 v0, v2;
	v2 =	vshll.u32 v3, $0x1;
	v3 =	vld [tilespmem:$0x2F0]  }
0x44: {  	v51 =	vld [tilespmem:$0x300];
	[tilespmem:$0x690] =	vst v1;
	v1 =	vor.u32 v0, v2;
	v2 =	vshll.u32 v47, $0x1  }
0x45: {  	v52 =	vld [tilespmem:$0x310];
	[tilespmem:$0x6A0] =	vst v1;
	v1 =	vor.u32 v0, v2;
	v2 =	vshll.u32 v48, $0x1  }
0x46: {  	v53 =	vld [tilespmem:$0x320];
	[tilespmem:$0x6B0] =	vst v1;
	v1 =	vor.u32 v0, v2;
	v2 =	vshll.u32 v49, $0x1  }
0x47: {  	v54 =	vld [tilespmem:$0x330];
	[tilespmem:$0x6C0] =	vst v1;
	v1 =	vor.u32 v0, v2;
	v2 =	vshll.u32 v50, $0x1  }
0x48: {  	[tilespmem:$0x6D0] =	vst v1;
	v1 =	vor.u32 v0, v2;
	v2 =	vshll.u32 v3, $0x1;
	v3 =	vld [tilespmem:$0x340]  }
0x49: {  	v55 =	vld [tilespmem:$0x350];
	[tilespmem:$0x6E0] =	vst v1;
	v1 =	vor.u32 v0, v2;
	v2 =	vshll.u32 v51, $0x1  }
0x4a: {  	v56 =	vld [tilespmem:$0x360];
	[tilespmem:$0x6F0] =	vst v1;
	v1 =	vor.u32 v0, v2;
	v2 =	vshll.u32 v52, $0x1  }
0x4b: {  	v57 =	vld [tilespmem:$0x370];
	[tilespmem:$0x700] =	vst v1;
	v1 =	vor.u32 v0, v2;
	v2 =	vshll.u32 v53, $0x1  }
0x4c: {  	v58 =	vld [tilespmem:$0x380];
	[tilespmem:$0x710] =	vst v1;
	v1 =	vor.u32 v0, v2;
	v2 =	vshll.u32 v54, $0x1  }
0x4d: {  	[tilespmem:$0x720] =	vst v1;
	v1 =	vor.u32 v0, v2;
	v2 =	vshll.u32 v3, $0x1;
	v3 =	vld [tilespmem:$0x390]  }
0x4e: {  	v59 =	vld [tilespmem:$0x3A0];
	[tilespmem:$0x730] =	vst v1;
	v1 =	vor.u32 v0, v2;
	v2 =	vshll.u32 v55, $0x1  }
0x4f: {  	v60 =	vld [tilespmem:$0x3B0];
	[tilespmem:$0x740] =	vst v1;
	v1 =	vor.u32 v0, v2;
	v2 =	vshll.u32 v56, $0x1  }
0x50: {  	v61 =	vld [tilespmem:$0x3C0];
	[tilespmem:$0x750] =	vst v1;
	v1 =	vor.u32 v0, v2;
	v2 =	vshll.u32 v57, $0x1  }
0x51: {  	v62 =	vld [tilespmem:$0x3D0];
	[tilespmem:$0x760] =	vst v1;
	v1 =	vor.u32 v0, v2;
	v2 =	vshll.u32 v58, $0x1  }
0x52: {  	[tilespmem:$0x770] =	vst v1;
	v1 =	vor.u32 v0, v2;
	v2 =	vshll.u32 v3, $0x1;
	v3 =	vld [tilespmem:$0x3E0]  }
0x53: {  	v63 =	vld [tilespmem:$0x3F0];
	[tilespmem:$0x780] =	vst v1;
	v1 =	vor.u32 v0, v2;
	v2 =	vshll.u32 v59, $0x1  }
0x54: {  	[tilespmem:$0x790] =	vst v1;
	v1 =	vor.u32 v0, v2;
	v2 =	vshll.u32 v60, $0x1  }
0x55: {  	[tilespmem:$0x7A0] =	vst v1;
	v1 =	vor.u32 v0, v2;
	v2 =	vshll.u32 v61, $0x1  }
0x56: {  	[tilespmem:$0x7B0] =	vst v1;
	v1 =	vor.u32 v0, v2;
	v2 =	vshll.u32 v62, $0x1  }
0x57: {  	[tilespmem:$0x7C0] =	vst v1;
	v1 =	vor.u32 v0, v2;
	v2 =	vshll.u32 v3, $0x1  }
0x58: {  	[tilespmem:$0x7D0] =	vst v1;
	v1 =	vor.u32 v0, v2;
	v2 =	vshll.u32 v63, $0x1  }
0x59: {  	[tilespmem:$0x7E0] =	vst v1;
	v1 =	vor.u32 v0, v2  }
0x5a: {  	[tilespmem:$0x7F0] =	vst v1  }
0x5b: {  	[tilespmem:s10], [sflag:$0x1] =	stream.indirect.gather [hbm4b:s2+s8], $0x40, s9, s8, $0xb8;
	[tilespmem:$0x10800] =	vst v63  }
0x5c: {  	_ = 	snop  }
0x5d: {  	[tilespmem:s12], [sflag:$0x1] =	stream.indirect.gather [hbm4b:s2+s8], $0x40, s11, s8, $0xb8;
	[tilespmem:$0x10800] =	vst v63  }
0x5e: {  	_ = 	snop  }
0x5f: {  	[tilespmem:s14], [sflag:$0x1] =	stream.indirect.gather [hbm4b:s2+s8], $0x40, s13, s8, $0xb8;
	[tilespmem:$0x10800] =	vst v63  }
0x60: {  	_ = 	snop  }
0x61: {  	[tilespmem:s16], [sflag:$0x1] =	stream.indirect.gather [hbm4b:s2+s8], $0x40, s15, s8, $0xb8;
	[tilespmem:$0x10800] =	vst v63  }
0x62: {  	_ = 	snop  }
0x63: {  	[tilespmem:s18], [sflag:$0x1] =	stream.indirect.gather [hbm4b:s2+s8], $0x40, s17, s8, $0xb8;
	[tilespmem:$0x10800] =	vst v63  }
0x64: {  	_ = 	snop  }
0x65: {  	[tilespmem:s20], [sflag:$0x1] =	stream.indirect.gather [hbm4b:s2+s8], $0x40, s19, s8, $0xb8;
	[tilespmem:$0x10800] =	vst v63  }
0x66: {  	_ = 	snop  }
0x67: {  	[tilespmem:s22], [sflag:$0x1] =	stream.indirect.gather [hbm4b:s2+s8], $0x40, s21, s8, $0xb8;
	[tilespmem:$0x10800] =	vst v63  }
0x68: {  	_ = 	snop  }
0x69: {  	[tilespmem:s24], [sflag:$0x1] =	stream.indirect.gather [hbm4b:s2+s8], $0x40, s23, s8, $0xb8;
	[tilespmem:$0x10800] =	vst v63  }
0x6a: {  	_ =	swait.ge [sflag:s25], $0x2000  }
0x6b: {  	[sflag:s25] =	ssyncset.done $0x0  }
0x6c: {  	[sflag:s25] =	ssyncadd.s32 $0xFFFFE000  }
0x6d: {  	_ =	swait.ge [sflag:s25], $0x2000  }
0x6e: {  	[sflag:s25] =	ssyncset.done $0x0  }
0x6f: {  	[sflag:s25] =	ssyncadd.s32 $0xFFFFE000  }
0x70: {  	_ =	swait.ge [sflag:s25], $0x2000  }
0x71: {  	[sflag:s25] =	ssyncset.done $0x0  }
0x72: {  	[sflag:s25] =	ssyncadd.s32 $0xFFFFE000  }
0x73: {  	_ =	swait.ge [sflag:s25], $0x2000  }
0x74: {  	[sflag:s25] =	ssyncset.done $0x0  }
0x75: {  	[sflag:s25] =	ssyncadd.s32 $0xFFFFE000  }
0x76: {  	_ =	swait.ge [sflag:s25], $0x2000  }
0x77: {  	[sflag:s25] =	ssyncset.done $0x0  }
0x78: {  	[sflag:s25] =	ssyncadd.s32 $0xFFFFE000  }
0x79: {  	_ =	swait.ge [sflag:s25], $0x2000  }
0x7a: {  	[sflag:s25] =	ssyncset.done $0x0  }
0x7b: {  	[sflag:s25] =	ssyncadd.s32 $0xFFFFE000  }
0x7c: {  	_ =	swait.ge [sflag:s25], $0x2000  }
0x7d: {  	[sflag:s25] =	ssyncset.done $0x0  }
0x7e: {  	[sflag:s25] =	ssyncadd.s32 $0xFFFFE000  }
0x7f: {  	_ =	swait.ge [sflag:s25], $0x2000  }
0x80: {  	p0 =	sne.s32 s6, $0x1;
	[sflag:s25] =	ssyncset.done $0x0  }
.Ltmp0:
0x81: {  	[sflag:s25] =	ssyncadd.s32 $0xFFFFE000;
	(pc) =	sbr.rel @p0 .LBB2_1-.Ltmp0, $4  }
0x82: {  	[hbm4b:s5+s3] =	stream.linear.scatter [tilespmem:s10], [sflag:$0x2], $0x10000, $0x38;
	[tilespmem:$0x10800] =	vst v63  }
0x83: {  	_ =	swait.ge [sflag:s7], $0x10000  }
0x84: {  	[sflag:s7] =	ssyncset.done $0x0  }
0x85: {  	s6 =	sadd.s32 $0xFFFFFFFF, s6;
	[sflag:s7] =	ssyncadd.s32 $0xFFFF0000  }
0x86: {  	_ =	sfence.sel $0x180000  }
0x87: {  	[bflag:$0x0] =	sbarrier.arrive $0xFFFF  }
0x88: {  	p0 =	sne.s32 s0, $0x0;
	_ =	strace $0x90000047  }
0x89: {  	s0 =	sadd.s32 @!p0 $0x100000, s1;
	[bflag:$0x2] =	sbarrier.arrive $0xFFFF  }
0x8a: {  	[sflag:s0] =	ssyncadd.tile.s32 @!p0 $0x1;
	_ =	shalt  }
.Lfunc_end2:
_tile_overlayer_lowered:
.L_overlay_start_2:
0x8b: {  	(tag) =	ssettag $0x2  }
0x8c: {  	s0 =	rddreg [dreg:$0x0];
	s2 =	stileid.u32  }
0x8d: {  	s1 =	rddreg [dreg:$0x1];
	p0 =	sne.s32 s2, $0x0  }
0x8e: {  	s3 =	rddreg [dreg:$0x2];
	[bflag:$0x3] =	sbarrier.arrive $0xFFFF;
	s2 =	simm.s32 @!p0 $0x1C02  }
0x8f: {  	[timem:s3], [sflag:s2] =	dma.local @!p0 [hbm:s0], s1  }
0x90: {  	s0 =	simm.s32 @!p0 $0x2  }
0x91: {  	_ =	swait.ge @!p0 [sflag:s0], s1  }
0x92: {  	s1 =	ssub.s32 @!p0 $0x0, s1;
	[sflag:s0] =	ssyncset.done @!p0 $0x0  }
0x93: {  	[sflag:s0] =	ssyncadd.s32 @!p0 s1  }
0x94: {  	[bflag:$0x3] =	sbarrier.arrive $0xFFFF  }
0x95: {  	_ =	shalt  }

</sc_bundles>
